<compile_context>
chip_gen: v7x
topology: tpu7x:2x2x1
jax: 0.10.2.dev20260603
libtpu: 0.0.44.dev20260713+nightly
codegen_flags: <defaults>
</compile_context>

<pallas_src>
import functools

import jax
import jax.numpy as jnp
from jax import lax
from jax.experimental import pallas as pl
from jax.experimental.pallas import tpu as pltpu
from jax.experimental.pallas import tpu_sc as plsc

NC = 2
NS = 16
NT = NC * NS
CHUNK = 128



def _make_deg(NP, C):
    mesh = plsc.VectorSubcoreMesh(core_axis_name="c", subcore_axis_name="s", num_cores=NC, num_subcores=NS)
    RPT = NP // NS

    @functools.partial(
        pl.kernel,
        out_type=jax.ShapeDtypeStruct((NC, NP, 8), jnp.float32),
        mesh=mesh,
        compiler_params=pltpu.CompilerParams(use_tc_tiling_on_sc=False),
        scratch_types=[
            pltpu.VMEM((C, CHUNK), jnp.int32),
            pltpu.VMEM((CHUNK, 8), jnp.float32),
            pltpu.VMEM_SHARED((NP, 8), jnp.float32),
        ],
    )
    def deg(dsts_hbm, ones_hbm, zero_hbm, out_hbm, dst_v, ones_v, acc):
        cid = lax.axis_index("c")
        sid = lax.axis_index("s")
        t = cid * NS + sid
        pltpu.sync_copy(dsts_hbm.at[t], dst_v)
        pltpu.sync_copy(zero_hbm, ones_v)
        base = sid * RPT
        for kk in range(RPT // CHUNK):
            pltpu.sync_copy(ones_v, acc.at[pl.ds(base + kk * CHUNK, CHUNK)])
        pltpu.sync_copy(ones_hbm, ones_v)
        plsc.subcore_barrier()

        def body(j, carry):
            pltpu.sync_copy(ones_v, acc.at[dst_v.at[j]], add=True)
            return carry

        lax.fori_loop(0, C, body, 0)
        plsc.subcore_barrier()
        pltpu.sync_copy(acc.at[pl.ds(base, RPT)],
                        out_hbm.at[cid, pl.ds(base, RPT)])

    return deg


def _make_agg(NP, D, C):
    mesh = plsc.VectorSubcoreMesh(core_axis_name="c", subcore_axis_name="s", num_cores=NC, num_subcores=NS)
    RPT = NP // NS

    @functools.partial(
        pl.kernel,
        out_type=jax.ShapeDtypeStruct((NC, NP, D), jnp.float32),
        mesh=mesh,
        compiler_params=pltpu.CompilerParams(use_tc_tiling_on_sc=False),
        scratch_types=[
            pltpu.VMEM((C, CHUNK), jnp.int32),
            pltpu.VMEM((C, CHUNK), jnp.int32),
            pltpu.VMEM((CHUNK, D), jnp.float32),
            pltpu.VMEM_SHARED((NP, D), jnp.float32),
        ],
    )
    def agg(g_hbm, srcs_hbm, dsts_hbm, zero_hbm, out_hbm,
            src_v, dst_v, rows_v, acc):
        cid = lax.axis_index("c")
        sid = lax.axis_index("s")
        t = cid * NS + sid
        pltpu.sync_copy(srcs_hbm.at[t], src_v)
        pltpu.sync_copy(dsts_hbm.at[t], dst_v)
        pltpu.sync_copy(zero_hbm, rows_v)
        base = sid * RPT
        for kk in range(RPT // CHUNK):
            pltpu.sync_copy(rows_v, acc.at[pl.ds(base + kk * CHUNK, CHUNK)])
        plsc.subcore_barrier()

        def body(j, carry):
            pltpu.sync_copy(g_hbm.at[src_v.at[j]], rows_v)
            pltpu.sync_copy(rows_v, acc.at[dst_v.at[j]], add=True)
            return carry

        lax.fori_loop(0, C, body, 0)
        plsc.subcore_barrier()
        pltpu.sync_copy(acc.at[pl.ds(base, RPT)],
                        out_hbm.at[cid, pl.ds(base, RPT)])

    return agg



def _tc_layer1(degp, xp, W1, NP, BR):
    D_IN, D_H = W1.shape

    def body(deg_ref, x_ref, w_ref, g_ref, dis_ref):
        d = 1.0 + deg_ref[0] + deg_ref[1]
        dis = lax.rsqrt(d)[:, None]
        dis_ref[...] = dis
        h = jnp.dot(x_ref[...], w_ref[...], preferred_element_type=jnp.float32)
        g_ref[...] = h * dis

    return pl.pallas_call(
        body,
        grid=(NP // BR,),
        in_specs=[
            pl.BlockSpec((NC, BR), lambda i: (0, i)),
            pl.BlockSpec((BR, D_IN), lambda i: (i, 0)),
            pl.BlockSpec((D_IN, D_H), lambda i: (0, 0)),
        ],
        out_specs=[
            pl.BlockSpec((BR, D_H), lambda i: (i, 0)),
            pl.BlockSpec((BR, 1), lambda i: (i, 0)),
        ],
        out_shape=[
            jax.ShapeDtypeStruct((NP, D_H), jnp.float32),
            jax.ShapeDtypeStruct((NP, 1), jnp.float32),
        ],
    )(degp, xp, W1)


def _tc_layer2(parts, g1, dis, b1, W2p, NP, BR):
    D_H, D_O = W2p.shape

    def body(p_ref, g1_ref, dis_ref, b1_ref, w_ref, g2_ref):
        dis = dis_ref[...]
        s = p_ref[0] + p_ref[1] + g1_ref[...]
        h2 = jnp.maximum(s * dis + b1_ref[...][None, :], 0.0)
        m = jnp.dot(h2, w_ref[...], preferred_element_type=jnp.float32)
        g2_ref[...] = m * dis

    return pl.pallas_call(
        body,
        grid=(NP // BR,),
        in_specs=[
            pl.BlockSpec((NC, BR, D_H), lambda i: (0, i, 0)),
            pl.BlockSpec((BR, D_H), lambda i: (i, 0)),
            pl.BlockSpec((BR, 1), lambda i: (i, 0)),
            pl.BlockSpec((D_H,), lambda i: (0,)),
            pl.BlockSpec((D_H, D_O), lambda i: (0, 0)),
        ],
        out_specs=pl.BlockSpec((BR, D_O), lambda i: (i, 0)),
        out_shape=jax.ShapeDtypeStruct((NP, D_O), jnp.float32),
    )(parts, g1, dis, b1, W2p)


def _tc_final(parts, g2, dis, b2p, NP, BR):
    D_O = b2p.shape[0]

    def body(p_ref, g2_ref, dis_ref, b2_ref, o_ref):
        s = p_ref[0] + p_ref[1] + g2_ref[...]
        o_ref[...] = s * dis_ref[...] + b2_ref[...][None, :]

    return pl.pallas_call(
        body,
        grid=(NP // BR,),
        in_specs=[
            pl.BlockSpec((NC, BR, D_O), lambda i: (0, i, 0)),
            pl.BlockSpec((BR, D_O), lambda i: (i, 0)),
            pl.BlockSpec((BR, 1), lambda i: (i, 0)),
            pl.BlockSpec((D_O,), lambda i: (0,)),
        ],
        out_specs=pl.BlockSpec((BR, D_O), lambda i: (i, 0)),
        out_shape=jax.ShapeDtypeStruct((NP, D_O), jnp.float32),
    )(parts, g2, dis, b2p)



@jax.jit
def _run(x, edge_index, W1, b1, W2, b2):
    N = x.shape[0]
    E = edge_index.shape[1]
    NP = ((N + NS * CHUNK - 1) // (NS * CHUNK)) * (NS * CHUNK)
    C = (E + NT * CHUNK - 1) // (NT * CHUNK)
    EP = NT * C * CHUNK
    BR = NP // 16

    src = edge_index[0].astype(jnp.int32)
    dst = edge_index[1].astype(jnp.int32)
    src_p = jnp.concatenate(
        [src, jnp.zeros((EP - E,), jnp.int32)]).reshape(NT, C, CHUNK)
    dst_p = jnp.concatenate(
        [dst, jnp.full((EP - E,), NP - 1, jnp.int32)]).reshape(NT, C, CHUNK)
    xp = jnp.pad(x, ((0, NP - N), (0, 0)))

    D_H = W1.shape[1]
    D_O2 = 16
    W2p = jnp.pad(W2, ((0, 0), (0, D_O2 - W2.shape[1])))
    b2p = jnp.pad(b2, (0, D_O2 - b2.shape[0]))

    ones8 = jnp.ones((CHUNK, 8), jnp.float32)
    zero8 = jnp.zeros((CHUNK, 8), jnp.float32)
    zeroH = jnp.zeros((CHUNK, D_H), jnp.float32)
    zeroO = jnp.zeros((CHUNK, D_O2), jnp.float32)

    degp8 = _make_deg(NP, C)(dst_p, ones8, zero8)
    degp = degp8[:, :, 0]

    g1, dis = _tc_layer1(degp, xp, W1, NP, BR)
    parts1 = _make_agg(NP, D_H, C)(g1, src_p, dst_p, zeroH)
    g2 = _tc_layer2(parts1, g1, dis, b1, W2p, NP, BR)
    parts2 = _make_agg(NP, D_O2, C)(g2, src_p, dst_p, zeroO)
    out16 = _tc_final(parts2, g2, dis, b2p, NP, BR)
    return out16[:N, :W2.shape[1]]


def kernel(x, edge_index, W1, b1, W2, b2):
    return _run(x, edge_index, W1, b1, W2, b2)

# --- scband reference (transcript-rebuilt; emitter-appended) ---
"""Pipeline reference for scband-grain-gcn-20375324852411 (READ-ONLY COPY).

The authoritative reference and input builder live on the scoring server;
editing this copy changes nothing except your own understanding.
"""

import jax, jax.numpy as jnp
import numpy as np

N_NODES = 10000
N_EDGES = 160000
D_IN = 256
D_HID = 64
D_OUT = 2


def gcn_conv(x, edge_index, W, b):
    # Faithful PyG GCNConv (add_self_loops=True, normalize=True):
    # x' = D^{-1/2} (A + I) D^{-1/2} X W + b
    N = x.shape[0]
    loop = jnp.arange(N, dtype=edge_index.dtype)
    src = jnp.concatenate([edge_index[0], loop])
    dst = jnp.concatenate([edge_index[1], loop])
    h = x @ W
    deg = jnp.zeros((N,), dtype=h.dtype).at[dst].add(1.0)
    deg_inv_sqrt = jnp.where(deg > 0, deg ** -0.5, 0.0)
    norm = deg_inv_sqrt[src] * deg_inv_sqrt[dst]
    msg = h[src] * norm[:, None]
    out = jnp.zeros_like(h).at[dst].add(msg)
    return out + b


def setup_inputs(seed: int = 0) -> dict:
    key = jax.random.key(seed)
    k1, k2, k3, k4, k5 = jax.random.split(key, 5)
    x = jax.random.normal(k1, (N_NODES, D_IN), dtype=jnp.float32)
    edge_index = jax.random.randint(k2, (2, N_EDGES), 0, N_NODES, dtype=jnp.int64)
    # Glorot-style init for GCN weights, zero bias (PyG default)
    W1 = jax.random.normal(k3, (D_IN, D_HID), dtype=jnp.float32) * (2.0 / (D_IN + D_HID)) ** 0.5
    b1 = jnp.zeros((D_HID,), dtype=jnp.float32)
    W2 = jax.random.normal(k4, (D_HID, D_OUT), dtype=jnp.float32) * (2.0 / (D_HID + D_OUT)) ** 0.5
    b2 = jnp.zeros((D_OUT,), dtype=jnp.float32)
    return {"x": x, "edge_index": edge_index, "W1": W1, "b1": b1, "W2": W2, "b2": b2}


def reference(x, edge_index, W1, b1, W2, b2):
    h = gcn_conv(x, edge_index, W1, b1)
    h = jax.nn.relu(h)
    # dropout p=0.3 with training=self.training -> identity in eval mode
    out = gcn_conv(h, edge_index, W2, b2)
    return out

if __name__ == "__main__":
    import jax
    _d = setup_inputs()
    print(jax.jit(kernel)(*tuple(_d.values())))

</pallas_src>

<mosaic_0001>
#map = affine_map<(d0, d1) -> (0, 0)>
#map1 = affine_map<(d0, d1) -> (0, 0, 0)>
module attributes {stable_mosaic.version = 14 : i64} {
  func.func @agg(%arg0: i32, %arg1: i32, %arg2: memref<10240x16xf32, #tpu.memory_space<hbm>>, %arg3: memref<32x40x128xi32, #tpu.memory_space<hbm>>, %arg4: memref<32x40x128xi32, #tpu.memory_space<hbm>>, %arg5: memref<128x16xf32, #tpu.memory_space<hbm>>, %arg6: memref<2x10240x16xf32, #tpu.memory_space<hbm>>, %arg7: memref<40x128xi32, #tpu.memory_space<vmem>>, %arg8: memref<40x128xi32, #tpu.memory_space<vmem>>, %arg9: memref<128x16xf32, #tpu.memory_space<vmem>>, %arg10: memref<10240x16xf32, #tpu.memory_space<vmem_shared>>) attributes {dimension_semantics = [#tpu.dimension_semantics<core_parallel>, #tpu.dimension_semantics<subcore_parallel>], iteration_bounds = array<i64: 2, 16>, scalar_prefetch = 0 : i64, scratch_operands = 4 : i64, tpu.core_type = #tpu.core_type<sc_vector_subcore>, window_params = [{transform_indices = #map}, {transform_indices = #map1}, {transform_indices = #map1}, {transform_indices = #map}, {transform_indices = #map1}]} {
    %mul3A = arith.constant 16 : i32
    %mul3A_0 = arith.muli %arg0, %mul3A : i32
    %add3A = arith.addi %mul3A_0, %arg1 : i32
    "tpu.region"() ({
      %run_scoped3A = tpu.sem_alloc : memref<!tpu.dma_semaphore, #tpu.memory_space<semaphore_mem>>
      %dma_start3A = arith.constant 0 : i32
      %dma_start3A_19 = arith.constant 0 : i32
      %dma_start3A_20 = tpu.memref_slice %arg3[%add3A, %dma_start3A, %dma_start3A_19] : memref<32x40x128xi32, #tpu.memory_space<hbm>> -> memref<1x40x128xi32, #tpu.memory_space<hbm>>
      %dma_start3A_21 = tpu.memref_squeeze %dma_start3A_20 : memref<1x40x128xi32, #tpu.memory_space<hbm>> -> memref<40x128xi32, #tpu.memory_space<hbm>>
      %dma_start3A_22 = arith.constant 0 : i32
      %dma_start3A_23 = arith.constant 0 : i32
      %dma_start3A_24 = tpu.memref_slice %arg3[%add3A, %dma_start3A_22, %dma_start3A_23] : memref<32x40x128xi32, #tpu.memory_space<hbm>> -> memref<1x40x128xi32, #tpu.memory_space<hbm>>
      %dma_start3A_25 = tpu.memref_squeeze %dma_start3A_24 : memref<1x40x128xi32, #tpu.memory_space<hbm>> -> memref<40x128xi32, #tpu.memory_space<hbm>>
      tpu.enqueue_dma source(%dma_start3A_25 : memref<40x128xi32, #tpu.memory_space<hbm>>) target(%arg7 : memref<40x128xi32, #tpu.memory_space<vmem>>) target_semaphore(%run_scoped3A : memref<!tpu.dma_semaphore, #tpu.memory_space<semaphore_mem>>)
      %dma_wait3A = arith.constant 0 : i32
      %dma_wait3A_26 = arith.constant 0 : i32
      %dma_wait3A_27 = tpu.memref_slice %arg3[%add3A, %dma_wait3A, %dma_wait3A_26] : memref<32x40x128xi32, #tpu.memory_space<hbm>> -> memref<1x40x128xi32, #tpu.memory_space<hbm>>
      %dma_wait3A_28 = tpu.memref_squeeze %dma_wait3A_27 : memref<1x40x128xi32, #tpu.memory_space<hbm>> -> memref<40x128xi32, #tpu.memory_space<hbm>>
      %dma_wait3A_29 = arith.constant 0 : i32
      %dma_wait3A_30 = arith.constant 0 : i32
      %dma_wait3A_31 = tpu.memref_slice %arg3[%add3A, %dma_wait3A_29, %dma_wait3A_30] : memref<32x40x128xi32, #tpu.memory_space<hbm>> -> memref<1x40x128xi32, #tpu.memory_space<hbm>>
      %dma_wait3A_32 = tpu.memref_squeeze %dma_wait3A_31 : memref<1x40x128xi32, #tpu.memory_space<hbm>> -> memref<40x128xi32, #tpu.memory_space<hbm>>
      tpu.wait_dma2 semaphore(%run_scoped3A : memref<!tpu.dma_semaphore, #tpu.memory_space<semaphore_mem>>) src(%dma_wait3A_32 : memref<40x128xi32, #tpu.memory_space<hbm>>) dst(%arg7 : memref<40x128xi32, #tpu.memory_space<vmem>>)
      tpu.yield
    }) : () -> ()
    "tpu.region"() ({
      %run_scoped3A = tpu.sem_alloc : memref<!tpu.dma_semaphore, #tpu.memory_space<semaphore_mem>>
      %dma_start3A = arith.constant 0 : i32
      %dma_start3A_19 = arith.constant 0 : i32
      %dma_start3A_20 = tpu.memref_slice %arg4[%add3A, %dma_start3A, %dma_start3A_19] : memref<32x40x128xi32, #tpu.memory_space<hbm>> -> memref<1x40x128xi32, #tpu.memory_space<hbm>>
      %dma_start3A_21 = tpu.memref_squeeze %dma_start3A_20 : memref<1x40x128xi32, #tpu.memory_space<hbm>> -> memref<40x128xi32, #tpu.memory_space<hbm>>
      %dma_start3A_22 = arith.constant 0 : i32
      %dma_start3A_23 = arith.constant 0 : i32
      %dma_start3A_24 = tpu.memref_slice %arg4[%add3A, %dma_start3A_22, %dma_start3A_23] : memref<32x40x128xi32, #tpu.memory_space<hbm>> -> memref<1x40x128xi32, #tpu.memory_space<hbm>>
      %dma_start3A_25 = tpu.memref_squeeze %dma_start3A_24 : memref<1x40x128xi32, #tpu.memory_space<hbm>> -> memref<40x128xi32, #tpu.memory_space<hbm>>
      tpu.enqueue_dma source(%dma_start3A_25 : memref<40x128xi32, #tpu.memory_space<hbm>>) target(%arg8 : memref<40x128xi32, #tpu.memory_space<vmem>>) target_semaphore(%run_scoped3A : memref<!tpu.dma_semaphore, #tpu.memory_space<semaphore_mem>>)
      %dma_wait3A = arith.constant 0 : i32
      %dma_wait3A_26 = arith.constant 0 : i32
      %dma_wait3A_27 = tpu.memref_slice %arg4[%add3A, %dma_wait3A, %dma_wait3A_26] : memref<32x40x128xi32, #tpu.memory_space<hbm>> -> memref<1x40x128xi32, #tpu.memory_space<hbm>>
      %dma_wait3A_28 = tpu.memref_squeeze %dma_wait3A_27 : memref<1x40x128xi32, #tpu.memory_space<hbm>> -> memref<40x128xi32, #tpu.memory_space<hbm>>
      %dma_wait3A_29 = arith.constant 0 : i32
      %dma_wait3A_30 = arith.constant 0 : i32
      %dma_wait3A_31 = tpu.memref_slice %arg4[%add3A, %dma_wait3A_29, %dma_wait3A_30] : memref<32x40x128xi32, #tpu.memory_space<hbm>> -> memref<1x40x128xi32, #tpu.memory_space<hbm>>
      %dma_wait3A_32 = tpu.memref_squeeze %dma_wait3A_31 : memref<1x40x128xi32, #tpu.memory_space<hbm>> -> memref<40x128xi32, #tpu.memory_space<hbm>>
      tpu.wait_dma2 semaphore(%run_scoped3A : memref<!tpu.dma_semaphore, #tpu.memory_space<semaphore_mem>>) src(%dma_wait3A_32 : memref<40x128xi32, #tpu.memory_space<hbm>>) dst(%arg8 : memref<40x128xi32, #tpu.memory_space<vmem>>)
      tpu.yield
    }) : () -> ()
    "tpu.region"() ({
      %run_scoped3A = tpu.sem_alloc : memref<!tpu.dma_semaphore, #tpu.memory_space<semaphore_mem>>
      tpu.enqueue_dma source(%arg5 : memref<128x16xf32, #tpu.memory_space<hbm>>) target(%arg9 : memref<128x16xf32, #tpu.memory_space<vmem>>) target_semaphore(%run_scoped3A : memref<!tpu.dma_semaphore, #tpu.memory_space<semaphore_mem>>)
      tpu.wait_dma2 semaphore(%run_scoped3A : memref<!tpu.dma_semaphore, #tpu.memory_space<semaphore_mem>>) src(%arg5 : memref<128x16xf32, #tpu.memory_space<hbm>>) dst(%arg9 : memref<128x16xf32, #tpu.memory_space<vmem>>)
      tpu.yield
    }) : () -> ()
    %mul3A_1 = arith.constant 640 : i32
    %mul3A_2 = arith.muli %arg1, %mul3A_1 : i32
    %add3A_3 = arith.constant 0 : i32
    %add3A_4 = arith.addi %mul3A_2, %add3A_3 : i32
    "tpu.region"() ({
      %run_scoped3A = tpu.sem_alloc : memref<!tpu.dma_semaphore, #tpu.memory_space<semaphore_mem>>
      %dma_start3A = arith.constant 0 : i32
      %dma_start3A_19 = tpu.memref_slice %arg10[%add3A_4, %dma_start3A] : memref<10240x16xf32, #tpu.memory_space<vmem_shared>> -> memref<128x16xf32, #tpu.memory_space<vmem_shared>>
      %dma_start3A_20 = arith.constant 0 : i32
      %dma_start3A_21 = tpu.memref_slice %arg10[%add3A_4, %dma_start3A_20] : memref<10240x16xf32, #tpu.memory_space<vmem_shared>> -> memref<128x16xf32, #tpu.memory_space<vmem_shared>>
      tpu.enqueue_dma source(%arg9 : memref<128x16xf32, #tpu.memory_space<vmem>>) target(%dma_start3A_21 : memref<128x16xf32, #tpu.memory_space<vmem_shared>>) target_semaphore(%run_scoped3A : memref<!tpu.dma_semaphore, #tpu.memory_space<semaphore_mem>>)
      %dma_wait3A = arith.constant 0 : i32
      %dma_wait3A_22 = tpu.memref_slice %arg10[%add3A_4, %dma_wait3A] : memref<10240x16xf32, #tpu.memory_space<vmem_shared>> -> memref<128x16xf32, #tpu.memory_space<vmem_shared>>
      %dma_wait3A_23 = arith.constant 0 : i32
      %dma_wait3A_24 = tpu.memref_slice %arg10[%add3A_4, %dma_wait3A_23] : memref<10240x16xf32, #tpu.memory_space<vmem_shared>> -> memref<128x16xf32, #tpu.memory_space<vmem_shared>>
      tpu.wait_dma2 semaphore(%run_scoped3A : memref<!tpu.dma_semaphore, #tpu.memory_space<semaphore_mem>>) src(%arg9 : memref<128x16xf32, #tpu.memory_space<vmem>>) dst(%dma_wait3A_24 : memref<128x16xf32, #tpu.memory_space<vmem_shared>>)
      tpu.yield
    }) : () -> ()
    %add3A_5 = arith.constant 128 : i32
    %add3A_6 = arith.addi %mul3A_2, %add3A_5 : i32
    "tpu.region"() ({
      %run_scoped3A = tpu.sem_alloc : memref<!tpu.dma_semaphore, #tpu.memory_space<semaphore_mem>>
      %dma_start3A = arith.constant 0 : i32
      %dma_start3A_19 = tpu.memref_slice %arg10[%add3A_6, %dma_start3A] : memref<10240x16xf32, #tpu.memory_space<vmem_shared>> -> memref<128x16xf32, #tpu.memory_space<vmem_shared>>
      %dma_start3A_20 = arith.constant 0 : i32
      %dma_start3A_21 = tpu.memref_slice %arg10[%add3A_6, %dma_start3A_20] : memref<10240x16xf32, #tpu.memory_space<vmem_shared>> -> memref<128x16xf32, #tpu.memory_space<vmem_shared>>
      tpu.enqueue_dma source(%arg9 : memref<128x16xf32, #tpu.memory_space<vmem>>) target(%dma_start3A_21 : memref<128x16xf32, #tpu.memory_space<vmem_shared>>) target_semaphore(%run_scoped3A : memref<!tpu.dma_semaphore, #tpu.memory_space<semaphore_mem>>)
      %dma_wait3A = arith.constant 0 : i32
      %dma_wait3A_22 = tpu.memref_slice %arg10[%add3A_6, %dma_wait3A] : memref<10240x16xf32, #tpu.memory_space<vmem_shared>> -> memref<128x16xf32, #tpu.memory_space<vmem_shared>>
      %dma_wait3A_23 = arith.constant 0 : i32
      %dma_wait3A_24 = tpu.memref_slice %arg10[%add3A_6, %dma_wait3A_23] : memref<10240x16xf32, #tpu.memory_space<vmem_shared>> -> memref<128x16xf32, #tpu.memory_space<vmem_shared>>
      tpu.wait_dma2 semaphore(%run_scoped3A : memref<!tpu.dma_semaphore, #tpu.memory_space<semaphore_mem>>) src(%arg9 : memref<128x16xf32, #tpu.memory_space<vmem>>) dst(%dma_wait3A_24 : memref<128x16xf32, #tpu.memory_space<vmem_shared>>)
      tpu.yield
    }) : () -> ()
    %add3A_7 = arith.constant 256 : i32
    %add3A_8 = arith.addi %mul3A_2, %add3A_7 : i32
    "tpu.region"() ({
      %run_scoped3A = tpu.sem_alloc : memref<!tpu.dma_semaphore, #tpu.memory_space<semaphore_mem>>
      %dma_start3A = arith.constant 0 : i32
      %dma_start3A_19 = tpu.memref_slice %arg10[%add3A_8, %dma_start3A] : memref<10240x16xf32, #tpu.memory_space<vmem_shared>> -> memref<128x16xf32, #tpu.memory_space<vmem_shared>>
      %dma_start3A_20 = arith.constant 0 : i32
      %dma_start3A_21 = tpu.memref_slice %arg10[%add3A_8, %dma_start3A_20] : memref<10240x16xf32, #tpu.memory_space<vmem_shared>> -> memref<128x16xf32, #tpu.memory_space<vmem_shared>>
      tpu.enqueue_dma source(%arg9 : memref<128x16xf32, #tpu.memory_space<vmem>>) target(%dma_start3A_21 : memref<128x16xf32, #tpu.memory_space<vmem_shared>>) target_semaphore(%run_scoped3A : memref<!tpu.dma_semaphore, #tpu.memory_space<semaphore_mem>>)
      %dma_wait3A = arith.constant 0 : i32
      %dma_wait3A_22 = tpu.memref_slice %arg10[%add3A_8, %dma_wait3A] : memref<10240x16xf32, #tpu.memory_space<vmem_shared>> -> memref<128x16xf32, #tpu.memory_space<vmem_shared>>
      %dma_wait3A_23 = arith.constant 0 : i32
      %dma_wait3A_24 = tpu.memref_slice %arg10[%add3A_8, %dma_wait3A_23] : memref<10240x16xf32, #tpu.memory_space<vmem_shared>> -> memref<128x16xf32, #tpu.memory_space<vmem_shared>>
      tpu.wait_dma2 semaphore(%run_scoped3A : memref<!tpu.dma_semaphore, #tpu.memory_space<semaphore_mem>>) src(%arg9 : memref<128x16xf32, #tpu.memory_space<vmem>>) dst(%dma_wait3A_24 : memref<128x16xf32, #tpu.memory_space<vmem_shared>>)
      tpu.yield
    }) : () -> ()
    %add3A_9 = arith.constant 384 : i32
    %add3A_10 = arith.addi %mul3A_2, %add3A_9 : i32
    "tpu.region"() ({
      %run_scoped3A = tpu.sem_alloc : memref<!tpu.dma_semaphore, #tpu.memory_space<semaphore_mem>>
      %dma_start3A = arith.constant 0 : i32
      %dma_start3A_19 = tpu.memref_slice %arg10[%add3A_10, %dma_start3A] : memref<10240x16xf32, #tpu.memory_space<vmem_shared>> -> memref<128x16xf32, #tpu.memory_space<vmem_shared>>
      %dma_start3A_20 = arith.constant 0 : i32
      %dma_start3A_21 = tpu.memref_slice %arg10[%add3A_10, %dma_start3A_20] : memref<10240x16xf32, #tpu.memory_space<vmem_shared>> -> memref<128x16xf32, #tpu.memory_space<vmem_shared>>
      tpu.enqueue_dma source(%arg9 : memref<128x16xf32, #tpu.memory_space<vmem>>) target(%dma_start3A_21 : memref<128x16xf32, #tpu.memory_space<vmem_shared>>) target_semaphore(%run_scoped3A : memref<!tpu.dma_semaphore, #tpu.memory_space<semaphore_mem>>)
      %dma_wait3A = arith.constant 0 : i32
      %dma_wait3A_22 = tpu.memref_slice %arg10[%add3A_10, %dma_wait3A] : memref<10240x16xf32, #tpu.memory_space<vmem_shared>> -> memref<128x16xf32, #tpu.memory_space<vmem_shared>>
      %dma_wait3A_23 = arith.constant 0 : i32
      %dma_wait3A_24 = tpu.memref_slice %arg10[%add3A_10, %dma_wait3A_23] : memref<10240x16xf32, #tpu.memory_space<vmem_shared>> -> memref<128x16xf32, #tpu.memory_space<vmem_shared>>
      tpu.wait_dma2 semaphore(%run_scoped3A : memref<!tpu.dma_semaphore, #tpu.memory_space<semaphore_mem>>) src(%arg9 : memref<128x16xf32, #tpu.memory_space<vmem>>) dst(%dma_wait3A_24 : memref<128x16xf32, #tpu.memory_space<vmem_shared>>)
      tpu.yield
    }) : () -> ()
    %add3A_11 = arith.constant 512 : i32
    %add3A_12 = arith.addi %mul3A_2, %add3A_11 : i32
    "tpu.region"() ({
      %run_scoped3A = tpu.sem_alloc : memref<!tpu.dma_semaphore, #tpu.memory_space<semaphore_mem>>
      %dma_start3A = arith.constant 0 : i32
      %dma_start3A_19 = tpu.memref_slice %arg10[%add3A_12, %dma_start3A] : memref<10240x16xf32, #tpu.memory_space<vmem_shared>> -> memref<128x16xf32, #tpu.memory_space<vmem_shared>>
      %dma_start3A_20 = arith.constant 0 : i32
      %dma_start3A_21 = tpu.memref_slice %arg10[%add3A_12, %dma_start3A_20] : memref<10240x16xf32, #tpu.memory_space<vmem_shared>> -> memref<128x16xf32, #tpu.memory_space<vmem_shared>>
      tpu.enqueue_dma source(%arg9 : memref<128x16xf32, #tpu.memory_space<vmem>>) target(%dma_start3A_21 : memref<128x16xf32, #tpu.memory_space<vmem_shared>>) target_semaphore(%run_scoped3A : memref<!tpu.dma_semaphore, #tpu.memory_space<semaphore_mem>>)
      %dma_wait3A = arith.constant 0 : i32
      %dma_wait3A_22 = tpu.memref_slice %arg10[%add3A_12, %dma_wait3A] : memref<10240x16xf32, #tpu.memory_space<vmem_shared>> -> memref<128x16xf32, #tpu.memory_space<vmem_shared>>
      %dma_wait3A_23 = arith.constant 0 : i32
      %dma_wait3A_24 = tpu.memref_slice %arg10[%add3A_12, %dma_wait3A_23] : memref<10240x16xf32, #tpu.memory_space<vmem_shared>> -> memref<128x16xf32, #tpu.memory_space<vmem_shared>>
      tpu.wait_dma2 semaphore(%run_scoped3A : memref<!tpu.dma_semaphore, #tpu.memory_space<semaphore_mem>>) src(%arg9 : memref<128x16xf32, #tpu.memory_space<vmem>>) dst(%dma_wait3A_24 : memref<128x16xf32, #tpu.memory_space<vmem_shared>>)
      tpu.yield
    }) : () -> ()
    %barrier3A = arith.constant 0 : index
    tpu.barrier barrier_id(%barrier3A)
    %scan3A = arith.constant 0 : i32
    %scan3A_13 = arith.constant 0 : i32
    %scan3A_14 = arith.constant 40 : i32
    %scan3A_15 = arith.addi %scan3A_13, %scan3A_14 : i32
    %scan3A_16 = arith.constant 1 : i32
    scf.for %scan3A_19 = %scan3A_13 to %scan3A_15 step %scan3A_16  : i32 {
      "tpu.region"() ({
        %run_scoped3A = tpu.sem_alloc : memref<!tpu.dma_semaphore, #tpu.memory_space<semaphore_mem>>
        %dma_start3A = arith.constant 0 : i32
        %dma_start3A_20 = tpu.memref_slice %arg7[%scan3A_19, %dma_start3A] : memref<40x128xi32, #tpu.memory_space<vmem>> -> memref<1x128xi32, #tpu.memory_space<vmem>>
        %dma_start3A_21 = tpu.memref_squeeze %dma_start3A_20 : memref<1x128xi32, #tpu.memory_space<vmem>> -> memref<128xi32, #tpu.memory_space<vmem>>
        %dma_start3A_22 = arith.constant 0 : i32
        %dma_start3A_23 = arith.constant 0 : i32
        %dma_start3A_24 = tpu.memref_slice %arg2[%dma_start3A_22, %dma_start3A_23] : memref<10240x16xf32, #tpu.memory_space<hbm>> -> memref<10240x16xf32, #tpu.memory_space<hbm>>
        tpu.enqueue_indirect_dma source(%dma_start3A_24 : memref<10240x16xf32, #tpu.memory_space<hbm>>) target(%arg9 : memref<128x16xf32, #tpu.memory_space<vmem>>) offsets(%dma_start3A_21 : memref<128xi32, #tpu.memory_space<vmem>>) semaphore(%run_scoped3A : memref<!tpu.dma_semaphore, #tpu.memory_space<semaphore_mem>>)
        %dma_wait3A = arith.constant 0 : i32
        %dma_wait3A_25 = tpu.memref_slice %arg7[%scan3A_19, %dma_wait3A] : memref<40x128xi32, #tpu.memory_space<vmem>> -> memref<1x128xi32, #tpu.memory_space<vmem>>
        %dma_wait3A_26 = tpu.memref_squeeze %dma_wait3A_25 : memref<1x128xi32, #tpu.memory_space<vmem>> -> memref<128xi32, #tpu.memory_space<vmem>>
        %dma_wait3A_27 = arith.constant 0 : i32
        %dma_wait3A_28 = arith.constant 0 : i32
        %dma_wait3A_29 = tpu.memref_slice %arg2[%dma_wait3A_27, %dma_wait3A_28] : memref<10240x16xf32, #tpu.memory_space<hbm>> -> memref<10240x16xf32, #tpu.memory_space<hbm>>
        tpu.wait_indirect_dma semaphore(%run_scoped3A : memref<!tpu.dma_semaphore, #tpu.memory_space<semaphore_mem>>) src(%dma_wait3A_29 : memref<10240x16xf32, #tpu.memory_space<hbm>>) dst(%arg9 : memref<128x16xf32, #tpu.memory_space<vmem>>)
        tpu.yield
      }) : () -> ()
      "tpu.region"() ({
        %run_scoped3A = tpu.sem_alloc : memref<!tpu.dma_semaphore, #tpu.memory_space<semaphore_mem>>
        %dma_start3A = arith.constant 0 : i32
        %dma_start3A_20 = tpu.memref_slice %arg8[%scan3A_19, %dma_start3A] : memref<40x128xi32, #tpu.memory_space<vmem>> -> memref<1x128xi32, #tpu.memory_space<vmem>>
        %dma_start3A_21 = tpu.memref_squeeze %dma_start3A_20 : memref<1x128xi32, #tpu.memory_space<vmem>> -> memref<128xi32, #tpu.memory_space<vmem>>
        %dma_start3A_22 = arith.constant 0 : i32
        %dma_start3A_23 = arith.constant 0 : i32
        %dma_start3A_24 = tpu.memref_slice %arg10[%dma_start3A_22, %dma_start3A_23] : memref<10240x16xf32, #tpu.memory_space<vmem_shared>> -> memref<10240x16xf32, #tpu.memory_space<vmem_shared>>
        tpu.enqueue_indirect_dma source(%arg9 : memref<128x16xf32, #tpu.memory_space<vmem>>) target(%dma_start3A_24 : memref<10240x16xf32, #tpu.memory_space<vmem_shared>>) offsets(%dma_start3A_21 : memref<128xi32, #tpu.memory_space<vmem>>) semaphore(%run_scoped3A : memref<!tpu.dma_semaphore, #tpu.memory_space<semaphore_mem>>) {add = true}
        %dma_wait3A = arith.constant 0 : i32
        %dma_wait3A_25 = tpu.memref_slice %arg8[%scan3A_19, %dma_wait3A] : memref<40x128xi32, #tpu.memory_space<vmem>> -> memref<1x128xi32, #tpu.memory_space<vmem>>
        %dma_wait3A_26 = tpu.memref_squeeze %dma_wait3A_25 : memref<1x128xi32, #tpu.memory_space<vmem>> -> memref<128xi32, #tpu.memory_space<vmem>>
        %dma_wait3A_27 = arith.constant 0 : i32
        %dma_wait3A_28 = arith.constant 0 : i32
        %dma_wait3A_29 = tpu.memref_slice %arg10[%dma_wait3A_27, %dma_wait3A_28] : memref<10240x16xf32, #tpu.memory_space<vmem_shared>> -> memref<10240x16xf32, #tpu.memory_space<vmem_shared>>
        tpu.wait_indirect_dma semaphore(%run_scoped3A : memref<!tpu.dma_semaphore, #tpu.memory_space<semaphore_mem>>) src(%arg9 : memref<128x16xf32, #tpu.memory_space<vmem>>) dst(%dma_wait3A_29 : memref<10240x16xf32, #tpu.memory_space<vmem_shared>>)
        tpu.yield
      }) : () -> ()
    }
    %scan3A_17 = arith.constant 40 : i32
    %barrier3A_18 = arith.constant 0 : index
    tpu.barrier barrier_id(%barrier3A_18)
    "tpu.region"() ({
      %run_scoped3A = tpu.sem_alloc : memref<!tpu.dma_semaphore, #tpu.memory_space<semaphore_mem>>
      %dma_start3A = arith.constant 0 : i32
      %dma_start3A_19 = tpu.memref_slice %arg6[%arg0, %mul3A_2, %dma_start3A] : memref<2x10240x16xf32, #tpu.memory_space<hbm>> -> memref<1x640x16xf32, #tpu.memory_space<hbm>>
      %dma_start3A_20 = tpu.memref_squeeze %dma_start3A_19 : memref<1x640x16xf32, #tpu.memory_space<hbm>> -> memref<640x16xf32, #tpu.memory_space<hbm>>
      %dma_start3A_21 = arith.constant 0 : i32
      %dma_start3A_22 = tpu.memref_slice %arg10[%mul3A_2, %dma_start3A_21] : memref<10240x16xf32, #tpu.memory_space<vmem_shared>> -> memref<640x16xf32, #tpu.memory_space<vmem_shared>>
      tpu.enqueue_dma source(%dma_start3A_22 : memref<640x16xf32, #tpu.memory_space<vmem_shared>>) target(%dma_start3A_20 : memref<640x16xf32, #tpu.memory_space<hbm>>) target_semaphore(%run_scoped3A : memref<!tpu.dma_semaphore, #tpu.memory_space<semaphore_mem>>)
      %dma_wait3A = arith.constant 0 : i32
      %dma_wait3A_23 = tpu.memref_slice %arg6[%arg0, %mul3A_2, %dma_wait3A] : memref<2x10240x16xf32, #tpu.memory_space<hbm>> -> memref<1x640x16xf32, #tpu.memory_space<hbm>>
      %dma_wait3A_24 = tpu.memref_squeeze %dma_wait3A_23 : memref<1x640x16xf32, #tpu.memory_space<hbm>> -> memref<640x16xf32, #tpu.memory_space<hbm>>
      %dma_wait3A_25 = arith.constant 0 : i32
      %dma_wait3A_26 = tpu.memref_slice %arg10[%mul3A_2, %dma_wait3A_25] : memref<10240x16xf32, #tpu.memory_space<vmem_shared>> -> memref<640x16xf32, #tpu.memory_space<vmem_shared>>
      tpu.wait_dma2 semaphore(%run_scoped3A : memref<!tpu.dma_semaphore, #tpu.memory_space<semaphore_mem>>) src(%dma_wait3A_26 : memref<640x16xf32, #tpu.memory_space<vmem_shared>>) dst(%dma_wait3A_24 : memref<640x16xf32, #tpu.memory_space<hbm>>)
      tpu.yield
    }) : () -> ()
    return
  }
}

#map = affine_map<(d0, d1) -> (0, 0)>
#map1 = affine_map<(d0, d1) -> (0, 0, 0)>
module attributes {stable_mosaic.version = 14 : i64} {
  func.func @agg(%arg0: i32, %arg1: i32, %arg2: memref<10240x64xf32, #tpu.memory_space<hbm>>, %arg3: memref<32x40x128xi32, #tpu.memory_space<hbm>>, %arg4: memref<32x40x128xi32, #tpu.memory_space<hbm>>, %arg5: memref<128x64xf32, #tpu.memory_space<hbm>>, %arg6: memref<2x10240x64xf32, #tpu.memory_space<hbm>>, %arg7: memref<40x128xi32, #tpu.memory_space<vmem>>, %arg8: memref<40x128xi32, #tpu.memory_space<vmem>>, %arg9: memref<128x64xf32, #tpu.memory_space<vmem>>, %arg10: memref<10240x64xf32, #tpu.memory_space<vmem_shared>>) attributes {dimension_semantics = [#tpu.dimension_semantics<core_parallel>, #tpu.dimension_semantics<subcore_parallel>], iteration_bounds = array<i64: 2, 16>, scalar_prefetch = 0 : i64, scratch_operands = 4 : i64, tpu.core_type = #tpu.core_type<sc_vector_subcore>, window_params = [{transform_indices = #map}, {transform_indices = #map1}, {transform_indices = #map1}, {transform_indices = #map}, {transform_indices = #map1}]} {
    %mul3A = arith.constant 16 : i32
    %mul3A_0 = arith.muli %arg0, %mul3A : i32
    %add3A = arith.addi %mul3A_0, %arg1 : i32
    "tpu.region"() ({
      %run_scoped3A = tpu.sem_alloc : memref<!tpu.dma_semaphore, #tpu.memory_space<semaphore_mem>>
      %dma_start3A = arith.constant 0 : i32
      %dma_start3A_19 = arith.constant 0 : i32
      %dma_start3A_20 = tpu.memref_slice %arg3[%add3A, %dma_start3A, %dma_start3A_19] : memref<32x40x128xi32, #tpu.memory_space<hbm>> -> memref<1x40x128xi32, #tpu.memory_space<hbm>>
      %dma_start3A_21 = tpu.memref_squeeze %dma_start3A_20 : memref<1x40x128xi32, #tpu.memory_space<hbm>> -> memref<40x128xi32, #tpu.memory_space<hbm>>
      %dma_start3A_22 = arith.constant 0 : i32
      %dma_start3A_23 = arith.constant 0 : i32
      %dma_start3A_24 = tpu.memref_slice %arg3[%add3A, %dma_start3A_22, %dma_start3A_23] : memref<32x40x128xi32, #tpu.memory_space<hbm>> -> memref<1x40x128xi32, #tpu.memory_space<hbm>>
      %dma_start3A_25 = tpu.memref_squeeze %dma_start3A_24 : memref<1x40x128xi32, #tpu.memory_space<hbm>> -> memref<40x128xi32, #tpu.memory_space<hbm>>
      tpu.enqueue_dma source(%dma_start3A_25 : memref<40x128xi32, #tpu.memory_space<hbm>>) target(%arg7 : memref<40x128xi32, #tpu.memory_space<vmem>>) target_semaphore(%run_scoped3A : memref<!tpu.dma_semaphore, #tpu.memory_space<semaphore_mem>>)
      %dma_wait3A = arith.constant 0 : i32
      %dma_wait3A_26 = arith.constant 0 : i32
      %dma_wait3A_27 = tpu.memref_slice %arg3[%add3A, %dma_wait3A, %dma_wait3A_26] : memref<32x40x128xi32, #tpu.memory_space<hbm>> -> memref<1x40x128xi32, #tpu.memory_space<hbm>>
      %dma_wait3A_28 = tpu.memref_squeeze %dma_wait3A_27 : memref<1x40x128xi32, #tpu.memory_space<hbm>> -> memref<40x128xi32, #tpu.memory_space<hbm>>
      %dma_wait3A_29 = arith.constant 0 : i32
      %dma_wait3A_30 = arith.constant 0 : i32
      %dma_wait3A_31 = tpu.memref_slice %arg3[%add3A, %dma_wait3A_29, %dma_wait3A_30] : memref<32x40x128xi32, #tpu.memory_space<hbm>> -> memref<1x40x128xi32, #tpu.memory_space<hbm>>
      %dma_wait3A_32 = tpu.memref_squeeze %dma_wait3A_31 : memref<1x40x128xi32, #tpu.memory_space<hbm>> -> memref<40x128xi32, #tpu.memory_space<hbm>>
      tpu.wait_dma2 semaphore(%run_scoped3A : memref<!tpu.dma_semaphore, #tpu.memory_space<semaphore_mem>>) src(%dma_wait3A_32 : memref<40x128xi32, #tpu.memory_space<hbm>>) dst(%arg7 : memref<40x128xi32, #tpu.memory_space<vmem>>)
      tpu.yield
    }) : () -> ()
    "tpu.region"() ({
      %run_scoped3A = tpu.sem_alloc : memref<!tpu.dma_semaphore, #tpu.memory_space<semaphore_mem>>
      %dma_start3A = arith.constant 0 : i32
      %dma_start3A_19 = arith.constant 0 : i32
      %dma_start3A_20 = tpu.memref_slice %arg4[%add3A, %dma_start3A, %dma_start3A_19] : memref<32x40x128xi32, #tpu.memory_space<hbm>> -> memref<1x40x128xi32, #tpu.memory_space<hbm>>
      %dma_start3A_21 = tpu.memref_squeeze %dma_start3A_20 : memref<1x40x128xi32, #tpu.memory_space<hbm>> -> memref<40x128xi32, #tpu.memory_space<hbm>>
      %dma_start3A_22 = arith.constant 0 : i32
      %dma_start3A_23 = arith.constant 0 : i32
      %dma_start3A_24 = tpu.memref_slice %arg4[%add3A, %dma_start3A_22, %dma_start3A_23] : memref<32x40x128xi32, #tpu.memory_space<hbm>> -> memref<1x40x128xi32, #tpu.memory_space<hbm>>
      %dma_start3A_25 = tpu.memref_squeeze %dma_start3A_24 : memref<1x40x128xi32, #tpu.memory_space<hbm>> -> memref<40x128xi32, #tpu.memory_space<hbm>>
      tpu.enqueue_dma source(%dma_start3A_25 : memref<40x128xi32, #tpu.memory_space<hbm>>) target(%arg8 : memref<40x128xi32, #tpu.memory_space<vmem>>) target_semaphore(%run_scoped3A : memref<!tpu.dma_semaphore, #tpu.memory_space<semaphore_mem>>)
      %dma_wait3A = arith.constant 0 : i32
      %dma_wait3A_26 = arith.constant 0 : i32
      %dma_wait3A_27 = tpu.memref_slice %arg4[%add3A, %dma_wait3A, %dma_wait3A_26] : memref<32x40x128xi32, #tpu.memory_space<hbm>> -> memref<1x40x128xi32, #tpu.memory_space<hbm>>
      %dma_wait3A_28 = tpu.memref_squeeze %dma_wait3A_27 : memref<1x40x128xi32, #tpu.memory_space<hbm>> -> memref<40x128xi32, #tpu.memory_space<hbm>>
      %dma_wait3A_29 = arith.constant 0 : i32
      %dma_wait3A_30 = arith.constant 0 : i32
      %dma_wait3A_31 = tpu.memref_slice %arg4[%add3A, %dma_wait3A_29, %dma_wait3A_30] : memref<32x40x128xi32, #tpu.memory_space<hbm>> -> memref<1x40x128xi32, #tpu.memory_space<hbm>>
      %dma_wait3A_32 = tpu.memref_squeeze %dma_wait3A_31 : memref<1x40x128xi32, #tpu.memory_space<hbm>> -> memref<40x128xi32, #tpu.memory_space<hbm>>
      tpu.wait_dma2 semaphore(%run_scoped3A : memref<!tpu.dma_semaphore, #tpu.memory_space<semaphore_mem>>) src(%dma_wait3A_32 : memref<40x128xi32, #tpu.memory_space<hbm>>) dst(%arg8 : memref<40x128xi32, #tpu.memory_space<vmem>>)
      tpu.yield
    }) : () -> ()
    "tpu.region"() ({
      %run_scoped3A = tpu.sem_alloc : memref<!tpu.dma_semaphore, #tpu.memory_space<semaphore_mem>>
      tpu.enqueue_dma source(%arg5 : memref<128x64xf32, #tpu.memory_space<hbm>>) target(%arg9 : memref<128x64xf32, #tpu.memory_space<vmem>>) target_semaphore(%run_scoped3A : memref<!tpu.dma_semaphore, #tpu.memory_space<semaphore_mem>>)
      tpu.wait_dma2 semaphore(%run_scoped3A : memref<!tpu.dma_semaphore, #tpu.memory_space<semaphore_mem>>) src(%arg5 : memref<128x64xf32, #tpu.memory_space<hbm>>) dst(%arg9 : memref<128x64xf32, #tpu.memory_space<vmem>>)
      tpu.yield
    }) : () -> ()
    %mul3A_1 = arith.constant 640 : i32
    %mul3A_2 = arith.muli %arg1, %mul3A_1 : i32
    %add3A_3 = arith.constant 0 : i32
    %add3A_4 = arith.addi %mul3A_2, %add3A_3 : i32
    "tpu.region"() ({
      %run_scoped3A = tpu.sem_alloc : memref<!tpu.dma_semaphore, #tpu.memory_space<semaphore_mem>>
      %dma_start3A = arith.constant 0 : i32
      %dma_start3A_19 = tpu.memref_slice %arg10[%add3A_4, %dma_start3A] : memref<10240x64xf32, #tpu.memory_space<vmem_shared>> -> memref<128x64xf32, #tpu.memory_space<vmem_shared>>
      %dma_start3A_20 = arith.constant 0 : i32
      %dma_start3A_21 = tpu.memref_slice %arg10[%add3A_4, %dma_start3A_20] : memref<10240x64xf32, #tpu.memory_space<vmem_shared>> -> memref<128x64xf32, #tpu.memory_space<vmem_shared>>
      tpu.enqueue_dma source(%arg9 : memref<128x64xf32, #tpu.memory_space<vmem>>) target(%dma_start3A_21 : memref<128x64xf32, #tpu.memory_space<vmem_shared>>) target_semaphore(%run_scoped3A : memref<!tpu.dma_semaphore, #tpu.memory_space<semaphore_mem>>)
      %dma_wait3A = arith.constant 0 : i32
      %dma_wait3A_22 = tpu.memref_slice %arg10[%add3A_4, %dma_wait3A] : memref<10240x64xf32, #tpu.memory_space<vmem_shared>> -> memref<128x64xf32, #tpu.memory_space<vmem_shared>>
      %dma_wait3A_23 = arith.constant 0 : i32
      %dma_wait3A_24 = tpu.memref_slice %arg10[%add3A_4, %dma_wait3A_23] : memref<10240x64xf32, #tpu.memory_space<vmem_shared>> -> memref<128x64xf32, #tpu.memory_space<vmem_shared>>
      tpu.wait_dma2 semaphore(%run_scoped3A : memref<!tpu.dma_semaphore, #tpu.memory_space<semaphore_mem>>) src(%arg9 : memref<128x64xf32, #tpu.memory_space<vmem>>) dst(%dma_wait3A_24 : memref<128x64xf32, #tpu.memory_space<vmem_shared>>)
      tpu.yield
    }) : () -> ()
    %add3A_5 = arith.constant 128 : i32
    %add3A_6 = arith.addi %mul3A_2, %add3A_5 : i32
    "tpu.region"() ({
      %run_scoped3A = tpu.sem_alloc : memref<!tpu.dma_semaphore, #tpu.memory_space<semaphore_mem>>
      %dma_start3A = arith.constant 0 : i32
      %dma_start3A_19 = tpu.memref_slice %arg10[%add3A_6, %dma_start3A] : memref<10240x64xf32, #tpu.memory_space<vmem_shared>> -> memref<128x64xf32, #tpu.memory_space<vmem_shared>>
      %dma_start3A_20 = arith.constant 0 : i32
      %dma_start3A_21 = tpu.memref_slice %arg10[%add3A_6, %dma_start3A_20] : memref<10240x64xf32, #tpu.memory_space<vmem_shared>> -> memref<128x64xf32, #tpu.memory_space<vmem_shared>>
      tpu.enqueue_dma source(%arg9 : memref<128x64xf32, #tpu.memory_space<vmem>>) target(%dma_start3A_21 : memref<128x64xf32, #tpu.memory_space<vmem_shared>>) target_semaphore(%run_scoped3A : memref<!tpu.dma_semaphore, #tpu.memory_space<semaphore_mem>>)
      %dma_wait3A = arith.constant 0 : i32
      %dma_wait3A_22 = tpu.memref_slice %arg10[%add3A_6, %dma_wait3A] : memref<10240x64xf32, #tpu.memory_space<vmem_shared>> -> memref<128x64xf32, #tpu.memory_space<vmem_shared>>
      %dma_wait3A_23 = arith.constant 0 : i32
      %dma_wait3A_24 = tpu.memref_slice %arg10[%add3A_6, %dma_wait3A_23] : memref<10240x64xf32, #tpu.memory_space<vmem_shared>> -> memref<128x64xf32, #tpu.memory_space<vmem_shared>>
      tpu.wait_dma2 semaphore(%run_scoped3A : memref<!tpu.dma_semaphore, #tpu.memory_space<semaphore_mem>>) src(%arg9 : memref<128x64xf32, #tpu.memory_space<vmem>>) dst(%dma_wait3A_24 : memref<128x64xf32, #tpu.memory_space<vmem_shared>>)
      tpu.yield
    }) : () -> ()
    %add3A_7 = arith.constant 256 : i32
    %add3A_8 = arith.addi %mul3A_2, %add3A_7 : i32
    "tpu.region"() ({
      %run_scoped3A = tpu.sem_alloc : memref<!tpu.dma_semaphore, #tpu.memory_space<semaphore_mem>>
      %dma_start3A = arith.constant 0 : i32
      %dma_start3A_19 = tpu.memref_slice %arg10[%add3A_8, %dma_start3A] : memref<10240x64xf32, #tpu.memory_space<vmem_shared>> -> memref<128x64xf32, #tpu.memory_space<vmem_shared>>
      %dma_start3A_20 = arith.constant 0 : i32
      %dma_start3A_21 = tpu.memref_slice %arg10[%add3A_8, %dma_start3A_20] : memref<10240x64xf32, #tpu.memory_space<vmem_shared>> -> memref<128x64xf32, #tpu.memory_space<vmem_shared>>
      tpu.enqueue_dma source(%arg9 : memref<128x64xf32, #tpu.memory_space<vmem>>) target(%dma_start3A_21 : memref<128x64xf32, #tpu.memory_space<vmem_shared>>) target_semaphore(%run_scoped3A : memref<!tpu.dma_semaphore, #tpu.memory_space<semaphore_mem>>)
      %dma_wait3A = arith.constant 0 : i32
      %dma_wait3A_22 = tpu.memref_slice %arg10[%add3A_8, %dma_wait3A] : memref<10240x64xf32, #tpu.memory_space<vmem_shared>> -> memref<128x64xf32, #tpu.memory_space<vmem_shared>>
      %dma_wait3A_23 = arith.constant 0 : i32
      %dma_wait3A_24 = tpu.memref_slice %arg10[%add3A_8, %dma_wait3A_23] : memref<10240x64xf32, #tpu.memory_space<vmem_shared>> -> memref<128x64xf32, #tpu.memory_space<vmem_shared>>
      tpu.wait_dma2 semaphore(%run_scoped3A : memref<!tpu.dma_semaphore, #tpu.memory_space<semaphore_mem>>) src(%arg9 : memref<128x64xf32, #tpu.memory_space<vmem>>) dst(%dma_wait3A_24 : memref<128x64xf32, #tpu.memory_space<vmem_shared>>)
      tpu.yield
    }) : () -> ()
    %add3A_9 = arith.constant 384 : i32
    %add3A_10 = arith.addi %mul3A_2, %add3A_9 : i32
    "tpu.region"() ({
      %run_scoped3A = tpu.sem_alloc : memref<!tpu.dma_semaphore, #tpu.memory_space<semaphore_mem>>
      %dma_start3A = arith.constant 0 : i32
      %dma_start3A_19 = tpu.memref_slice %arg10[%add3A_10, %dma_start3A] : memref<10240x64xf32, #tpu.memory_space<vmem_shared>> -> memref<128x64xf32, #tpu.memory_space<vmem_shared>>
      %dma_start3A_20 = arith.constant 0 : i32
      %dma_start3A_21 = tpu.memref_slice %arg10[%add3A_10, %dma_start3A_20] : memref<10240x64xf32, #tpu.memory_space<vmem_shared>> -> memref<128x64xf32, #tpu.memory_space<vmem_shared>>
      tpu.enqueue_dma source(%arg9 : memref<128x64xf32, #tpu.memory_space<vmem>>) target(%dma_start3A_21 : memref<128x64xf32, #tpu.memory_space<vmem_shared>>) target_semaphore(%run_scoped3A : memref<!tpu.dma_semaphore, #tpu.memory_space<semaphore_mem>>)
      %dma_wait3A = arith.constant 0 : i32
      %dma_wait3A_22 = tpu.memref_slice %arg10[%add3A_10, %dma_wait3A] : memref<10240x64xf32, #tpu.memory_space<vmem_shared>> -> memref<128x64xf32, #tpu.memory_space<vmem_shared>>
      %dma_wait3A_23 = arith.constant 0 : i32
      %dma_wait3A_24 = tpu.memref_slice %arg10[%add3A_10, %dma_wait3A_23] : memref<10240x64xf32, #tpu.memory_space<vmem_shared>> -> memref<128x64xf32, #tpu.memory_space<vmem_shared>>
      tpu.wait_dma2 semaphore(%run_scoped3A : memref<!tpu.dma_semaphore, #tpu.memory_space<semaphore_mem>>) src(%arg9 : memref<128x64xf32, #tpu.memory_space<vmem>>) dst(%dma_wait3A_24 : memref<128x64xf32, #tpu.memory_space<vmem_shared>>)
      tpu.yield
    }) : () -> ()
    %add3A_11 = arith.constant 512 : i32
    %add3A_12 = arith.addi %mul3A_2, %add3A_11 : i32
    "tpu.region"() ({
      %run_scoped3A = tpu.sem_alloc : memref<!tpu.dma_semaphore, #tpu.memory_space<semaphore_mem>>
      %dma_start3A = arith.constant 0 : i32
      %dma_start3A_19 = tpu.memref_slice %arg10[%add3A_12, %dma_start3A] : memref<10240x64xf32, #tpu.memory_space<vmem_shared>> -> memref<128x64xf32, #tpu.memory_space<vmem_shared>>
      %dma_start3A_20 = arith.constant 0 : i32
      %dma_start3A_21 = tpu.memref_slice %arg10[%add3A_12, %dma_start3A_20] : memref<10240x64xf32, #tpu.memory_space<vmem_shared>> -> memref<128x64xf32, #tpu.memory_space<vmem_shared>>
      tpu.enqueue_dma source(%arg9 : memref<128x64xf32, #tpu.memory_space<vmem>>) target(%dma_start3A_21 : memref<128x64xf32, #tpu.memory_space<vmem_shared>>) target_semaphore(%run_scoped3A : memref<!tpu.dma_semaphore, #tpu.memory_space<semaphore_mem>>)
      %dma_wait3A = arith.constant 0 : i32
      %dma_wait3A_22 = tpu.memref_slice %arg10[%add3A_12, %dma_wait3A] : memref<10240x64xf32, #tpu.memory_space<vmem_shared>> -> memref<128x64xf32, #tpu.memory_space<vmem_shared>>
      %dma_wait3A_23 = arith.constant 0 : i32
      %dma_wait3A_24 = tpu.memref_slice %arg10[%add3A_12, %dma_wait3A_23] : memref<10240x64xf32, #tpu.memory_space<vmem_shared>> -> memref<128x64xf32, #tpu.memory_space<vmem_shared>>
      tpu.wait_dma2 semaphore(%run_scoped3A : memref<!tpu.dma_semaphore, #tpu.memory_space<semaphore_mem>>) src(%arg9 : memref<128x64xf32, #tpu.memory_space<vmem>>) dst(%dma_wait3A_24 : memref<128x64xf32, #tpu.memory_space<vmem_shared>>)
      tpu.yield
    }) : () -> ()
    %barrier3A = arith.constant 0 : index
    tpu.barrier barrier_id(%barrier3A)
    %scan3A = arith.constant 0 : i32
    %scan3A_13 = arith.constant 0 : i32
    %scan3A_14 = arith.constant 40 : i32
    %scan3A_15 = arith.addi %scan3A_13, %scan3A_14 : i32
    %scan3A_16 = arith.constant 1 : i32
    scf.for %scan3A_19 = %scan3A_13 to %scan3A_15 step %scan3A_16  : i32 {
      "tpu.region"() ({
        %run_scoped3A = tpu.sem_alloc : memref<!tpu.dma_semaphore, #tpu.memory_space<semaphore_mem>>
        %dma_start3A = arith.constant 0 : i32
        %dma_start3A_20 = tpu.memref_slice %arg7[%scan3A_19, %dma_start3A] : memref<40x128xi32, #tpu.memory_space<vmem>> -> memref<1x128xi32, #tpu.memory_space<vmem>>
        %dma_start3A_21 = tpu.memref_squeeze %dma_start3A_20 : memref<1x128xi32, #tpu.memory_space<vmem>> -> memref<128xi32, #tpu.memory_space<vmem>>
        %dma_start3A_22 = arith.constant 0 : i32
        %dma_start3A_23 = arith.constant 0 : i32
        %dma_start3A_24 = tpu.memref_slice %arg2[%dma_start3A_22, %dma_start3A_23] : memref<10240x64xf32, #tpu.memory_space<hbm>> -> memref<10240x64xf32, #tpu.memory_space<hbm>>
        tpu.enqueue_indirect_dma source(%dma_start3A_24 : memref<10240x64xf32, #tpu.memory_space<hbm>>) target(%arg9 : memref<128x64xf32, #tpu.memory_space<vmem>>) offsets(%dma_start3A_21 : memref<128xi32, #tpu.memory_space<vmem>>) semaphore(%run_scoped3A : memref<!tpu.dma_semaphore, #tpu.memory_space<semaphore_mem>>)
        %dma_wait3A = arith.constant 0 : i32
        %dma_wait3A_25 = tpu.memref_slice %arg7[%scan3A_19, %dma_wait3A] : memref<40x128xi32, #tpu.memory_space<vmem>> -> memref<1x128xi32, #tpu.memory_space<vmem>>
        %dma_wait3A_26 = tpu.memref_squeeze %dma_wait3A_25 : memref<1x128xi32, #tpu.memory_space<vmem>> -> memref<128xi32, #tpu.memory_space<vmem>>
        %dma_wait3A_27 = arith.constant 0 : i32
        %dma_wait3A_28 = arith.constant 0 : i32
        %dma_wait3A_29 = tpu.memref_slice %arg2[%dma_wait3A_27, %dma_wait3A_28] : memref<10240x64xf32, #tpu.memory_space<hbm>> -> memref<10240x64xf32, #tpu.memory_space<hbm>>
        tpu.wait_indirect_dma semaphore(%run_scoped3A : memref<!tpu.dma_semaphore, #tpu.memory_space<semaphore_mem>>) src(%dma_wait3A_29 : memref<10240x64xf32, #tpu.memory_space<hbm>>) dst(%arg9 : memref<128x64xf32, #tpu.memory_space<vmem>>)
        tpu.yield
      }) : () -> ()
      "tpu.region"() ({
        %run_scoped3A = tpu.sem_alloc : memref<!tpu.dma_semaphore, #tpu.memory_space<semaphore_mem>>
        %dma_start3A = arith.constant 0 : i32
        %dma_start3A_20 = tpu.memref_slice %arg8[%scan3A_19, %dma_start3A] : memref<40x128xi32, #tpu.memory_space<vmem>> -> memref<1x128xi32, #tpu.memory_space<vmem>>
        %dma_start3A_21 = tpu.memref_squeeze %dma_start3A_20 : memref<1x128xi32, #tpu.memory_space<vmem>> -> memref<128xi32, #tpu.memory_space<vmem>>
        %dma_start3A_22 = arith.constant 0 : i32
        %dma_start3A_23 = arith.constant 0 : i32
        %dma_start3A_24 = tpu.memref_slice %arg10[%dma_start3A_22, %dma_start3A_23] : memref<10240x64xf32, #tpu.memory_space<vmem_shared>> -> memref<10240x64xf32, #tpu.memory_space<vmem_shared>>
        tpu.enqueue_indirect_dma source(%arg9 : memref<128x64xf32, #tpu.memory_space<vmem>>) target(%dma_start3A_24 : memref<10240x64xf32, #tpu.memory_space<vmem_shared>>) offsets(%dma_start3A_21 : memref<128xi32, #tpu.memory_space<vmem>>) semaphore(%run_scoped3A : memref<!tpu.dma_semaphore, #tpu.memory_space<semaphore_mem>>) {add = true}
        %dma_wait3A = arith.constant 0 : i32
        %dma_wait3A_25 = tpu.memref_slice %arg8[%scan3A_19, %dma_wait3A] : memref<40x128xi32, #tpu.memory_space<vmem>> -> memref<1x128xi32, #tpu.memory_space<vmem>>
        %dma_wait3A_26 = tpu.memref_squeeze %dma_wait3A_25 : memref<1x128xi32, #tpu.memory_space<vmem>> -> memref<128xi32, #tpu.memory_space<vmem>>
        %dma_wait3A_27 = arith.constant 0 : i32
        %dma_wait3A_28 = arith.constant 0 : i32
        %dma_wait3A_29 = tpu.memref_slice %arg10[%dma_wait3A_27, %dma_wait3A_28] : memref<10240x64xf32, #tpu.memory_space<vmem_shared>> -> memref<10240x64xf32, #tpu.memory_space<vmem_shared>>
        tpu.wait_indirect_dma semaphore(%run_scoped3A : memref<!tpu.dma_semaphore, #tpu.memory_space<semaphore_mem>>) src(%arg9 : memref<128x64xf32, #tpu.memory_space<vmem>>) dst(%dma_wait3A_29 : memref<10240x64xf32, #tpu.memory_space<vmem_shared>>)
        tpu.yield
      }) : () -> ()
    }
    %scan3A_17 = arith.constant 40 : i32
    %barrier3A_18 = arith.constant 0 : index
    tpu.barrier barrier_id(%barrier3A_18)
    "tpu.region"() ({
      %run_scoped3A = tpu.sem_alloc : memref<!tpu.dma_semaphore, #tpu.memory_space<semaphore_mem>>
      %dma_start3A = arith.constant 0 : i32
      %dma_start3A_19 = tpu.memref_slice %arg6[%arg0, %mul3A_2, %dma_start3A] : memref<2x10240x64xf32, #tpu.memory_space<hbm>> -> memref<1x640x64xf32, #tpu.memory_space<hbm>>
      %dma_start3A_20 = tpu.memref_squeeze %dma_start3A_19 : memref<1x640x64xf32, #tpu.memory_space<hbm>> -> memref<640x64xf32, #tpu.memory_space<hbm>>
      %dma_start3A_21 = arith.constant 0 : i32
      %dma_start3A_22 = tpu.memref_slice %arg10[%mul3A_2, %dma_start3A_21] : memref<10240x64xf32, #tpu.memory_space<vmem_shared>> -> memref<640x64xf32, #tpu.memory_space<vmem_shared>>
      tpu.enqueue_dma source(%dma_start3A_22 : memref<640x64xf32, #tpu.memory_space<vmem_shared>>) target(%dma_start3A_20 : memref<640x64xf32, #tpu.memory_space<hbm>>) target_semaphore(%run_scoped3A : memref<!tpu.dma_semaphore, #tpu.memory_space<semaphore_mem>>)
      %dma_wait3A = arith.constant 0 : i32
      %dma_wait3A_23 = tpu.memref_slice %arg6[%arg0, %mul3A_2, %dma_wait3A] : memref<2x10240x64xf32, #tpu.memory_space<hbm>> -> memref<1x640x64xf32, #tpu.memory_space<hbm>>
      %dma_wait3A_24 = tpu.memref_squeeze %dma_wait3A_23 : memref<1x640x64xf32, #tpu.memory_space<hbm>> -> memref<640x64xf32, #tpu.memory_space<hbm>>
      %dma_wait3A_25 = arith.constant 0 : i32
      %dma_wait3A_26 = tpu.memref_slice %arg10[%mul3A_2, %dma_wait3A_25] : memref<10240x64xf32, #tpu.memory_space<vmem_shared>> -> memref<640x64xf32, #tpu.memory_space<vmem_shared>>
      tpu.wait_dma2 semaphore(%run_scoped3A : memref<!tpu.dma_semaphore, #tpu.memory_space<semaphore_mem>>) src(%dma_wait3A_26 : memref<640x64xf32, #tpu.memory_space<vmem_shared>>) dst(%dma_wait3A_24 : memref<640x64xf32, #tpu.memory_space<hbm>>)
      tpu.yield
    }) : () -> ()
    return
  }
}

#map = affine_map<(d0, d1) -> (0, 0, 0)>
#map1 = affine_map<(d0, d1) -> (0, 0)>
module attributes {stable_mosaic.version = 14 : i64} {
  func.func @deg(%arg0: i32, %arg1: i32, %arg2: memref<32x40x128xi32, #tpu.memory_space<hbm>>, %arg3: memref<128x8xf32, #tpu.memory_space<hbm>>, %arg4: memref<128x8xf32, #tpu.memory_space<hbm>>, %arg5: memref<2x10240x8xf32, #tpu.memory_space<hbm>>, %arg6: memref<40x128xi32, #tpu.memory_space<vmem>>, %arg7: memref<128x8xf32, #tpu.memory_space<vmem>>, %arg8: memref<10240x8xf32, #tpu.memory_space<vmem_shared>>) attributes {dimension_semantics = [#tpu.dimension_semantics<core_parallel>, #tpu.dimension_semantics<subcore_parallel>], iteration_bounds = array<i64: 2, 16>, scalar_prefetch = 0 : i64, scratch_operands = 3 : i64, tpu.core_type = #tpu.core_type<sc_vector_subcore>, window_params = [{transform_indices = #map}, {transform_indices = #map1}, {transform_indices = #map1}, {transform_indices = #map}]} {
    %mul3A = arith.constant 16 : i32
    %mul3A_0 = arith.muli %arg0, %mul3A : i32
    %add3A = arith.addi %mul3A_0, %arg1 : i32
    "tpu.region"() ({
      %run_scoped3A = tpu.sem_alloc : memref<!tpu.dma_semaphore, #tpu.memory_space<semaphore_mem>>
      %dma_start3A = arith.constant 0 : i32
      %dma_start3A_19 = arith.constant 0 : i32
      %dma_start3A_20 = tpu.memref_slice %arg2[%add3A, %dma_start3A, %dma_start3A_19] : memref<32x40x128xi32, #tpu.memory_space<hbm>> -> memref<1x40x128xi32, #tpu.memory_space<hbm>>
      %dma_start3A_21 = tpu.memref_squeeze %dma_start3A_20 : memref<1x40x128xi32, #tpu.memory_space<hbm>> -> memref<40x128xi32, #tpu.memory_space<hbm>>
      %dma_start3A_22 = arith.constant 0 : i32
      %dma_start3A_23 = arith.constant 0 : i32
      %dma_start3A_24 = tpu.memref_slice %arg2[%add3A, %dma_start3A_22, %dma_start3A_23] : memref<32x40x128xi32, #tpu.memory_space<hbm>> -> memref<1x40x128xi32, #tpu.memory_space<hbm>>
      %dma_start3A_25 = tpu.memref_squeeze %dma_start3A_24 : memref<1x40x128xi32, #tpu.memory_space<hbm>> -> memref<40x128xi32, #tpu.memory_space<hbm>>
      tpu.enqueue_dma source(%dma_start3A_25 : memref<40x128xi32, #tpu.memory_space<hbm>>) target(%arg6 : memref<40x128xi32, #tpu.memory_space<vmem>>) target_semaphore(%run_scoped3A : memref<!tpu.dma_semaphore, #tpu.memory_space<semaphore_mem>>)
      %dma_wait3A = arith.constant 0 : i32
      %dma_wait3A_26 = arith.constant 0 : i32
      %dma_wait3A_27 = tpu.memref_slice %arg2[%add3A, %dma_wait3A, %dma_wait3A_26] : memref<32x40x128xi32, #tpu.memory_space<hbm>> -> memref<1x40x128xi32, #tpu.memory_space<hbm>>
      %dma_wait3A_28 = tpu.memref_squeeze %dma_wait3A_27 : memref<1x40x128xi32, #tpu.memory_space<hbm>> -> memref<40x128xi32, #tpu.memory_space<hbm>>
      %dma_wait3A_29 = arith.constant 0 : i32
      %dma_wait3A_30 = arith.constant 0 : i32
      %dma_wait3A_31 = tpu.memref_slice %arg2[%add3A, %dma_wait3A_29, %dma_wait3A_30] : memref<32x40x128xi32, #tpu.memory_space<hbm>> -> memref<1x40x128xi32, #tpu.memory_space<hbm>>
      %dma_wait3A_32 = tpu.memref_squeeze %dma_wait3A_31 : memref<1x40x128xi32, #tpu.memory_space<hbm>> -> memref<40x128xi32, #tpu.memory_space<hbm>>
      tpu.wait_dma2 semaphore(%run_scoped3A : memref<!tpu.dma_semaphore, #tpu.memory_space<semaphore_mem>>) src(%dma_wait3A_32 : memref<40x128xi32, #tpu.memory_space<hbm>>) dst(%arg6 : memref<40x128xi32, #tpu.memory_space<vmem>>)
      tpu.yield
    }) : () -> ()
    "tpu.region"() ({
      %run_scoped3A = tpu.sem_alloc : memref<!tpu.dma_semaphore, #tpu.memory_space<semaphore_mem>>
      tpu.enqueue_dma source(%arg4 : memref<128x8xf32, #tpu.memory_space<hbm>>) target(%arg7 : memref<128x8xf32, #tpu.memory_space<vmem>>) target_semaphore(%run_scoped3A : memref<!tpu.dma_semaphore, #tpu.memory_space<semaphore_mem>>)
      tpu.wait_dma2 semaphore(%run_scoped3A : memref<!tpu.dma_semaphore, #tpu.memory_space<semaphore_mem>>) src(%arg4 : memref<128x8xf32, #tpu.memory_space<hbm>>) dst(%arg7 : memref<128x8xf32, #tpu.memory_space<vmem>>)
      tpu.yield
    }) : () -> ()
    %mul3A_1 = arith.constant 640 : i32
    %mul3A_2 = arith.muli %arg1, %mul3A_1 : i32
    %add3A_3 = arith.constant 0 : i32
    %add3A_4 = arith.addi %mul3A_2, %add3A_3 : i32
    "tpu.region"() ({
      %run_scoped3A = tpu.sem_alloc : memref<!tpu.dma_semaphore, #tpu.memory_space<semaphore_mem>>
      %dma_start3A = arith.constant 0 : i32
      %dma_start3A_19 = tpu.memref_slice %arg8[%add3A_4, %dma_start3A] : memref<10240x8xf32, #tpu.memory_space<vmem_shared>> -> memref<128x8xf32, #tpu.memory_space<vmem_shared>>
      %dma_start3A_20 = arith.constant 0 : i32
      %dma_start3A_21 = tpu.memref_slice %arg8[%add3A_4, %dma_start3A_20] : memref<10240x8xf32, #tpu.memory_space<vmem_shared>> -> memref<128x8xf32, #tpu.memory_space<vmem_shared>>
      tpu.enqueue_dma source(%arg7 : memref<128x8xf32, #tpu.memory_space<vmem>>) target(%dma_start3A_21 : memref<128x8xf32, #tpu.memory_space<vmem_shared>>) target_semaphore(%run_scoped3A : memref<!tpu.dma_semaphore, #tpu.memory_space<semaphore_mem>>)
      %dma_wait3A = arith.constant 0 : i32
      %dma_wait3A_22 = tpu.memref_slice %arg8[%add3A_4, %dma_wait3A] : memref<10240x8xf32, #tpu.memory_space<vmem_shared>> -> memref<128x8xf32, #tpu.memory_space<vmem_shared>>
      %dma_wait3A_23 = arith.constant 0 : i32
      %dma_wait3A_24 = tpu.memref_slice %arg8[%add3A_4, %dma_wait3A_23] : memref<10240x8xf32, #tpu.memory_space<vmem_shared>> -> memref<128x8xf32, #tpu.memory_space<vmem_shared>>
      tpu.wait_dma2 semaphore(%run_scoped3A : memref<!tpu.dma_semaphore, #tpu.memory_space<semaphore_mem>>) src(%arg7 : memref<128x8xf32, #tpu.memory_space<vmem>>) dst(%dma_wait3A_24 : memref<128x8xf32, #tpu.memory_space<vmem_shared>>)
      tpu.yield
    }) : () -> ()
    %add3A_5 = arith.constant 128 : i32
    %add3A_6 = arith.addi %mul3A_2, %add3A_5 : i32
    "tpu.region"() ({
      %run_scoped3A = tpu.sem_alloc : memref<!tpu.dma_semaphore, #tpu.memory_space<semaphore_mem>>
      %dma_start3A = arith.constant 0 : i32
      %dma_start3A_19 = tpu.memref_slice %arg8[%add3A_6, %dma_start3A] : memref<10240x8xf32, #tpu.memory_space<vmem_shared>> -> memref<128x8xf32, #tpu.memory_space<vmem_shared>>
      %dma_start3A_20 = arith.constant 0 : i32
      %dma_start3A_21 = tpu.memref_slice %arg8[%add3A_6, %dma_start3A_20] : memref<10240x8xf32, #tpu.memory_space<vmem_shared>> -> memref<128x8xf32, #tpu.memory_space<vmem_shared>>
      tpu.enqueue_dma source(%arg7 : memref<128x8xf32, #tpu.memory_space<vmem>>) target(%dma_start3A_21 : memref<128x8xf32, #tpu.memory_space<vmem_shared>>) target_semaphore(%run_scoped3A : memref<!tpu.dma_semaphore, #tpu.memory_space<semaphore_mem>>)
      %dma_wait3A = arith.constant 0 : i32
      %dma_wait3A_22 = tpu.memref_slice %arg8[%add3A_6, %dma_wait3A] : memref<10240x8xf32, #tpu.memory_space<vmem_shared>> -> memref<128x8xf32, #tpu.memory_space<vmem_shared>>
      %dma_wait3A_23 = arith.constant 0 : i32
      %dma_wait3A_24 = tpu.memref_slice %arg8[%add3A_6, %dma_wait3A_23] : memref<10240x8xf32, #tpu.memory_space<vmem_shared>> -> memref<128x8xf32, #tpu.memory_space<vmem_shared>>
      tpu.wait_dma2 semaphore(%run_scoped3A : memref<!tpu.dma_semaphore, #tpu.memory_space<semaphore_mem>>) src(%arg7 : memref<128x8xf32, #tpu.memory_space<vmem>>) dst(%dma_wait3A_24 : memref<128x8xf32, #tpu.memory_space<vmem_shared>>)
      tpu.yield
    }) : () -> ()
    %add3A_7 = arith.constant 256 : i32
    %add3A_8 = arith.addi %mul3A_2, %add3A_7 : i32
    "tpu.region"() ({
      %run_scoped3A = tpu.sem_alloc : memref<!tpu.dma_semaphore, #tpu.memory_space<semaphore_mem>>
      %dma_start3A = arith.constant 0 : i32
      %dma_start3A_19 = tpu.memref_slice %arg8[%add3A_8, %dma_start3A] : memref<10240x8xf32, #tpu.memory_space<vmem_shared>> -> memref<128x8xf32, #tpu.memory_space<vmem_shared>>
      %dma_start3A_20 = arith.constant 0 : i32
      %dma_start3A_21 = tpu.memref_slice %arg8[%add3A_8, %dma_start3A_20] : memref<10240x8xf32, #tpu.memory_space<vmem_shared>> -> memref<128x8xf32, #tpu.memory_space<vmem_shared>>
      tpu.enqueue_dma source(%arg7 : memref<128x8xf32, #tpu.memory_space<vmem>>) target(%dma_start3A_21 : memref<128x8xf32, #tpu.memory_space<vmem_shared>>) target_semaphore(%run_scoped3A : memref<!tpu.dma_semaphore, #tpu.memory_space<semaphore_mem>>)
      %dma_wait3A = arith.constant 0 : i32
      %dma_wait3A_22 = tpu.memref_slice %arg8[%add3A_8, %dma_wait3A] : memref<10240x8xf32, #tpu.memory_space<vmem_shared>> -> memref<128x8xf32, #tpu.memory_space<vmem_shared>>
      %dma_wait3A_23 = arith.constant 0 : i32
      %dma_wait3A_24 = tpu.memref_slice %arg8[%add3A_8, %dma_wait3A_23] : memref<10240x8xf32, #tpu.memory_space<vmem_shared>> -> memref<128x8xf32, #tpu.memory_space<vmem_shared>>
      tpu.wait_dma2 semaphore(%run_scoped3A : memref<!tpu.dma_semaphore, #tpu.memory_space<semaphore_mem>>) src(%arg7 : memref<128x8xf32, #tpu.memory_space<vmem>>) dst(%dma_wait3A_24 : memref<128x8xf32, #tpu.memory_space<vmem_shared>>)
      tpu.yield
    }) : () -> ()
    %add3A_9 = arith.constant 384 : i32
    %add3A_10 = arith.addi %mul3A_2, %add3A_9 : i32
    "tpu.region"() ({
      %run_scoped3A = tpu.sem_alloc : memref<!tpu.dma_semaphore, #tpu.memory_space<semaphore_mem>>
      %dma_start3A = arith.constant 0 : i32
      %dma_start3A_19 = tpu.memref_slice %arg8[%add3A_10, %dma_start3A] : memref<10240x8xf32, #tpu.memory_space<vmem_shared>> -> memref<128x8xf32, #tpu.memory_space<vmem_shared>>
      %dma_start3A_20 = arith.constant 0 : i32
      %dma_start3A_21 = tpu.memref_slice %arg8[%add3A_10, %dma_start3A_20] : memref<10240x8xf32, #tpu.memory_space<vmem_shared>> -> memref<128x8xf32, #tpu.memory_space<vmem_shared>>
      tpu.enqueue_dma source(%arg7 : memref<128x8xf32, #tpu.memory_space<vmem>>) target(%dma_start3A_21 : memref<128x8xf32, #tpu.memory_space<vmem_shared>>) target_semaphore(%run_scoped3A : memref<!tpu.dma_semaphore, #tpu.memory_space<semaphore_mem>>)
      %dma_wait3A = arith.constant 0 : i32
      %dma_wait3A_22 = tpu.memref_slice %arg8[%add3A_10, %dma_wait3A] : memref<10240x8xf32, #tpu.memory_space<vmem_shared>> -> memref<128x8xf32, #tpu.memory_space<vmem_shared>>
      %dma_wait3A_23 = arith.constant 0 : i32
      %dma_wait3A_24 = tpu.memref_slice %arg8[%add3A_10, %dma_wait3A_23] : memref<10240x8xf32, #tpu.memory_space<vmem_shared>> -> memref<128x8xf32, #tpu.memory_space<vmem_shared>>
      tpu.wait_dma2 semaphore(%run_scoped3A : memref<!tpu.dma_semaphore, #tpu.memory_space<semaphore_mem>>) src(%arg7 : memref<128x8xf32, #tpu.memory_space<vmem>>) dst(%dma_wait3A_24 : memref<128x8xf32, #tpu.memory_space<vmem_shared>>)
      tpu.yield
    }) : () -> ()
    %add3A_11 = arith.constant 512 : i32
    %add3A_12 = arith.addi %mul3A_2, %add3A_11 : i32
    "tpu.region"() ({
      %run_scoped3A = tpu.sem_alloc : memref<!tpu.dma_semaphore, #tpu.memory_space<semaphore_mem>>
      %dma_start3A = arith.constant 0 : i32
      %dma_start3A_19 = tpu.memref_slice %arg8[%add3A_12, %dma_start3A] : memref<10240x8xf32, #tpu.memory_space<vmem_shared>> -> memref<128x8xf32, #tpu.memory_space<vmem_shared>>
      %dma_start3A_20 = arith.constant 0 : i32
      %dma_start3A_21 = tpu.memref_slice %arg8[%add3A_12, %dma_start3A_20] : memref<10240x8xf32, #tpu.memory_space<vmem_shared>> -> memref<128x8xf32, #tpu.memory_space<vmem_shared>>
      tpu.enqueue_dma source(%arg7 : memref<128x8xf32, #tpu.memory_space<vmem>>) target(%dma_start3A_21 : memref<128x8xf32, #tpu.memory_space<vmem_shared>>) target_semaphore(%run_scoped3A : memref<!tpu.dma_semaphore, #tpu.memory_space<semaphore_mem>>)
      %dma_wait3A = arith.constant 0 : i32
      %dma_wait3A_22 = tpu.memref_slice %arg8[%add3A_12, %dma_wait3A] : memref<10240x8xf32, #tpu.memory_space<vmem_shared>> -> memref<128x8xf32, #tpu.memory_space<vmem_shared>>
      %dma_wait3A_23 = arith.constant 0 : i32
      %dma_wait3A_24 = tpu.memref_slice %arg8[%add3A_12, %dma_wait3A_23] : memref<10240x8xf32, #tpu.memory_space<vmem_shared>> -> memref<128x8xf32, #tpu.memory_space<vmem_shared>>
      tpu.wait_dma2 semaphore(%run_scoped3A : memref<!tpu.dma_semaphore, #tpu.memory_space<semaphore_mem>>) src(%arg7 : memref<128x8xf32, #tpu.memory_space<vmem>>) dst(%dma_wait3A_24 : memref<128x8xf32, #tpu.memory_space<vmem_shared>>)
      tpu.yield
    }) : () -> ()
    "tpu.region"() ({
      %run_scoped3A = tpu.sem_alloc : memref<!tpu.dma_semaphore, #tpu.memory_space<semaphore_mem>>
      tpu.enqueue_dma source(%arg3 : memref<128x8xf32, #tpu.memory_space<hbm>>) target(%arg7 : memref<128x8xf32, #tpu.memory_space<vmem>>) target_semaphore(%run_scoped3A : memref<!tpu.dma_semaphore, #tpu.memory_space<semaphore_mem>>)
      tpu.wait_dma2 semaphore(%run_scoped3A : memref<!tpu.dma_semaphore, #tpu.memory_space<semaphore_mem>>) src(%arg3 : memref<128x8xf32, #tpu.memory_space<hbm>>) dst(%arg7 : memref<128x8xf32, #tpu.memory_space<vmem>>)
      tpu.yield
    }) : () -> ()
    %barrier3A = arith.constant 0 : index
    tpu.barrier barrier_id(%barrier3A)
    %scan3A = arith.constant 0 : i32
    %scan3A_13 = arith.constant 0 : i32
    %scan3A_14 = arith.constant 40 : i32
    %scan3A_15 = arith.addi %scan3A_13, %scan3A_14 : i32
    %scan3A_16 = arith.constant 1 : i32
    scf.for %scan3A_19 = %scan3A_13 to %scan3A_15 step %scan3A_16  : i32 {
      "tpu.region"() ({
        %run_scoped3A = tpu.sem_alloc : memref<!tpu.dma_semaphore, #tpu.memory_space<semaphore_mem>>
        %dma_start3A = arith.constant 0 : i32
        %dma_start3A_20 = tpu.memref_slice %arg6[%scan3A_19, %dma_start3A] : memref<40x128xi32, #tpu.memory_space<vmem>> -> memref<1x128xi32, #tpu.memory_space<vmem>>
        %dma_start3A_21 = tpu.memref_squeeze %dma_start3A_20 : memref<1x128xi32, #tpu.memory_space<vmem>> -> memref<128xi32, #tpu.memory_space<vmem>>
        %dma_start3A_22 = arith.constant 0 : i32
        %dma_start3A_23 = arith.constant 0 : i32
        %dma_start3A_24 = tpu.memref_slice %arg8[%dma_start3A_22, %dma_start3A_23] : memref<10240x8xf32, #tpu.memory_space<vmem_shared>> -> memref<10240x8xf32, #tpu.memory_space<vmem_shared>>
        tpu.enqueue_indirect_dma source(%arg7 : memref<128x8xf32, #tpu.memory_space<vmem>>) target(%dma_start3A_24 : memref<10240x8xf32, #tpu.memory_space<vmem_shared>>) offsets(%dma_start3A_21 : memref<128xi32, #tpu.memory_space<vmem>>) semaphore(%run_scoped3A : memref<!tpu.dma_semaphore, #tpu.memory_space<semaphore_mem>>) {add = true}
        %dma_wait3A = arith.constant 0 : i32
        %dma_wait3A_25 = tpu.memref_slice %arg6[%scan3A_19, %dma_wait3A] : memref<40x128xi32, #tpu.memory_space<vmem>> -> memref<1x128xi32, #tpu.memory_space<vmem>>
        %dma_wait3A_26 = tpu.memref_squeeze %dma_wait3A_25 : memref<1x128xi32, #tpu.memory_space<vmem>> -> memref<128xi32, #tpu.memory_space<vmem>>
        %dma_wait3A_27 = arith.constant 0 : i32
        %dma_wait3A_28 = arith.constant 0 : i32
        %dma_wait3A_29 = tpu.memref_slice %arg8[%dma_wait3A_27, %dma_wait3A_28] : memref<10240x8xf32, #tpu.memory_space<vmem_shared>> -> memref<10240x8xf32, #tpu.memory_space<vmem_shared>>
        tpu.wait_indirect_dma semaphore(%run_scoped3A : memref<!tpu.dma_semaphore, #tpu.memory_space<semaphore_mem>>) src(%arg7 : memref<128x8xf32, #tpu.memory_space<vmem>>) dst(%dma_wait3A_29 : memref<10240x8xf32, #tpu.memory_space<vmem_shared>>)
        tpu.yield
      }) : () -> ()
    }
    %scan3A_17 = arith.constant 40 : i32
    %barrier3A_18 = arith.constant 0 : index
    tpu.barrier barrier_id(%barrier3A_18)
    "tpu.region"() ({
      %run_scoped3A = tpu.sem_alloc : memref<!tpu.dma_semaphore, #tpu.memory_space<semaphore_mem>>
      %dma_start3A = arith.constant 0 : i32
      %dma_start3A_19 = tpu.memref_slice %arg5[%arg0, %mul3A_2, %dma_start3A] : memref<2x10240x8xf32, #tpu.memory_space<hbm>> -> memref<1x640x8xf32, #tpu.memory_space<hbm>>
      %dma_start3A_20 = tpu.memref_squeeze %dma_start3A_19 : memref<1x640x8xf32, #tpu.memory_space<hbm>> -> memref<640x8xf32, #tpu.memory_space<hbm>>
      %dma_start3A_21 = arith.constant 0 : i32
      %dma_start3A_22 = tpu.memref_slice %arg8[%mul3A_2, %dma_start3A_21] : memref<10240x8xf32, #tpu.memory_space<vmem_shared>> -> memref<640x8xf32, #tpu.memory_space<vmem_shared>>
      tpu.enqueue_dma source(%dma_start3A_22 : memref<640x8xf32, #tpu.memory_space<vmem_shared>>) target(%dma_start3A_20 : memref<640x8xf32, #tpu.memory_space<hbm>>) target_semaphore(%run_scoped3A : memref<!tpu.dma_semaphore, #tpu.memory_space<semaphore_mem>>)
      %dma_wait3A = arith.constant 0 : i32
      %dma_wait3A_23 = tpu.memref_slice %arg5[%arg0, %mul3A_2, %dma_wait3A] : memref<2x10240x8xf32, #tpu.memory_space<hbm>> -> memref<1x640x8xf32, #tpu.memory_space<hbm>>
      %dma_wait3A_24 = tpu.memref_squeeze %dma_wait3A_23 : memref<1x640x8xf32, #tpu.memory_space<hbm>> -> memref<640x8xf32, #tpu.memory_space<hbm>>
      %dma_wait3A_25 = arith.constant 0 : i32
      %dma_wait3A_26 = tpu.memref_slice %arg8[%mul3A_2, %dma_wait3A_25] : memref<10240x8xf32, #tpu.memory_space<vmem_shared>> -> memref<640x8xf32, #tpu.memory_space<vmem_shared>>
      tpu.wait_dma2 semaphore(%run_scoped3A : memref<!tpu.dma_semaphore, #tpu.memory_space<semaphore_mem>>) src(%dma_wait3A_26 : memref<640x8xf32, #tpu.memory_space<vmem_shared>>) dst(%dma_wait3A_24 : memref<640x8xf32, #tpu.memory_space<hbm>>)
      tpu.yield
    }) : () -> ()
    return
  }
}

module attributes {stable_mosaic.version = 14 : i64} {
  func.func @body(%arg0: i32, %arg1: memref<2x640xf32, #tpu.memory_space<vmem>>, %arg2: memref<640x256xf32, #tpu.memory_space<vmem>>, %arg3: memref<256x64xf32, #tpu.memory_space<vmem>>, %arg4: memref<640x64xf32, #tpu.memory_space<vmem>>, %arg5: memref<640x1xf32, #tpu.memory_space<vmem>>) attributes {dimension_semantics = [#tpu.dimension_semantics<arbitrary>], iteration_bounds = array<i64: 16>, scalar_prefetch = 0 : i64, scratch_operands = 0 : i64, tpu.core_type = #tpu.core_type<tc>, window_params = [{transform_indices = @transform_0, window_bounds = array<i64: 2, 640>}, {transform_indices = @transform_1, window_bounds = array<i64: 640, 256>}, {pipeline_mode = #tpu.pipeline_mode<synchronous>, transform_indices = @transform_2, window_bounds = array<i64: 256, 64>}, {transform_indices = @transform_3, window_bounds = array<i64: 640, 64>}, {transform_indices = @transform_4, window_bounds = array<i64: 640, 1>}]} {
    %get3A = arith.constant 0 : index
    %get3A_0 = arith.constant 0 : index
    %get3A_1 = vector.load %arg1[%get3A, %get3A_0] : memref<2x640xf32, #tpu.memory_space<vmem>>, vector<1x640xf32>
    %get3A_2 = vector.shape_cast %get3A_1 : vector<1x640xf32> to vector<640xf32>
    %add3A = arith.constant 1.000000e+00 : f32
    %add3A_3 = vector.broadcast %add3A : f32 to vector<640xf32>
    %add3A_4 = arith.addf %add3A_3, %get3A_2 : vector<640xf32>
    %get3A_5 = arith.constant 1 : index
    %get3A_6 = arith.constant 0 : index
    %get3A_7 = vector.load %arg1[%get3A_5, %get3A_6] : memref<2x640xf32, #tpu.memory_space<vmem>>, vector<1x640xf32>
    %get3A_8 = vector.shape_cast %get3A_7 : vector<1x640xf32> to vector<640xf32>
    %add3A_9 = arith.addf %add3A_4, %get3A_8 : vector<640xf32>
    %rsqrt3A = math.rsqrt %add3A_9 : vector<640xf32>
    %broadcast_in_dim3A = vector.shape_cast %rsqrt3A : vector<640xf32> to vector<640x1xf32>
    %swap3A = arith.constant 0 : index
    %swap3A_10 = arith.constant 0 : index
    %swap3A_11 = vector.load %arg5[%swap3A, %swap3A_10] : memref<640x1xf32, #tpu.memory_space<vmem>>, vector<640x1xf32>
    tpu.vector_store %arg5[%swap3A, %swap3A_10], %broadcast_in_dim3A {strides = array<i32>} : memref<640x1xf32, #tpu.memory_space<vmem>>, vector<640x1xf32>,
    %get3A_12 = arith.constant 0 : index
    %get3A_13 = arith.constant 0 : index
    %get3A_14 = vector.load %arg2[%get3A_12, %get3A_13] : memref<640x256xf32, #tpu.memory_space<vmem>>, vector<640x256xf32>
    %get3A_15 = arith.constant 0 : index
    %get3A_16 = arith.constant 0 : index
    %get3A_17 = vector.load %arg3[%get3A_15, %get3A_16] : memref<256x64xf32, #tpu.memory_space<vmem>>, vector<256x64xf32>
    %dot_general3A = arith.constant dense<0.000000e+00> : vector<640x64xf32>
    %dot_general3A_18 = tpu.matmul %get3A_14, %get3A_17, %dot_general3A {dimension_numbers = #tpu.dot_dimension_numbers<[1], [0], [0], [1], [0, 0, 1, 1], [], []>, transpose_lhs_hint = false} : vector<640x256xf32>, vector<256x64xf32>, vector<640x64xf32> -> vector<640x64xf32>
    %mul3A = vector.broadcast %broadcast_in_dim3A : vector<640x1xf32> to vector<640x64xf32>
    %mul3A_19 = arith.mulf %dot_general3A_18, %mul3A : vector<640x64xf32>
    %swap3A_20 = arith.constant 0 : index
    %swap3A_21 = arith.constant 0 : index
    %swap3A_22 = vector.load %arg4[%swap3A_20, %swap3A_21] : memref<640x64xf32, #tpu.memory_space<vmem>>, vector<640x64xf32>
    tpu.vector_store %arg4[%swap3A_20, %swap3A_21], %mul3A_19 {strides = array<i32>} : memref<640x64xf32, #tpu.memory_space<vmem>>, vector<640x64xf32>,
    return
  }
  func.func @transform_0(%arg0: i32) -> (i32, i32) {
    %c0_i32 = arith.constant 0 : i32
    %c0_i32_0 = arith.constant 0 : i32
    return %c0_i32, %arg0 : i32, i32
  }
  func.func @transform_1(%arg0: i32) -> (i32, i32) {
    %c0_i32 = arith.constant 0 : i32
    %c0_i32_0 = arith.constant 0 : i32
    return %arg0, %c0_i32 : i32, i32
  }
  func.func @transform_2(%arg0: i32) -> (i32, i32) {
    %c0_i32 = arith.constant 0 : i32
    %c0_i32_0 = arith.constant 0 : i32
    %c0_i32_1 = arith.constant 0 : i32
    return %c0_i32, %c0_i32_0 : i32, i32
  }
  func.func @transform_3(%arg0: i32) -> (i32, i32) {
    %c0_i32 = arith.constant 0 : i32
    %c0_i32_0 = arith.constant 0 : i32
    return %arg0, %c0_i32 : i32, i32
  }
  func.func @transform_4(%arg0: i32) -> (i32, i32) {
    %c0_i32 = arith.constant 0 : i32
    %c0_i32_0 = arith.constant 0 : i32
    return %arg0, %c0_i32 : i32, i32
  }
}

module attributes {stable_mosaic.version = 14 : i64} {
  func.func @body(%arg0: i32, %arg1: memref<2x640x64xf32, #tpu.memory_space<vmem>>, %arg2: memref<640x64xf32, #tpu.memory_space<vmem>>, %arg3: memref<640x1xf32, #tpu.memory_space<vmem>>, %arg4: memref<64xf32, #tpu.memory_space<vmem>>, %arg5: memref<64x16xf32, #tpu.memory_space<vmem>>, %arg6: memref<640x16xf32, #tpu.memory_space<vmem>>) attributes {dimension_semantics = [#tpu.dimension_semantics<arbitrary>], iteration_bounds = array<i64: 16>, scalar_prefetch = 0 : i64, scratch_operands = 0 : i64, tpu.core_type = #tpu.core_type<tc>, window_params = [{transform_indices = @transform_0, window_bounds = array<i64: 2, 640, 64>}, {transform_indices = @transform_1, window_bounds = array<i64: 640, 64>}, {transform_indices = @transform_2, window_bounds = array<i64: 640, 1>}, {pipeline_mode = #tpu.pipeline_mode<synchronous>, transform_indices = @transform_3, window_bounds = array<i64: 64>}, {pipeline_mode = #tpu.pipeline_mode<synchronous>, transform_indices = @transform_4, window_bounds = array<i64: 64, 16>}, {transform_indices = @transform_5, window_bounds = array<i64: 640, 16>}]} {
    %get3A = arith.constant 0 : index
    %get3A_0 = arith.constant 0 : index
    %get3A_1 = vector.load %arg3[%get3A, %get3A_0] : memref<640x1xf32, #tpu.memory_space<vmem>>, vector<640x1xf32>
    %get3A_2 = arith.constant 0 : index
    %get3A_3 = arith.constant 0 : index
    %get3A_4 = arith.constant 0 : index
    %get3A_5 = vector.load %arg1[%get3A_2, %get3A_3, %get3A_4] : memref<2x640x64xf32, #tpu.memory_space<vmem>>, vector<1x640x64xf32>
    %get3A_6 = vector.shape_cast %get3A_5 : vector<1x640x64xf32> to vector<640x64xf32>
    %get3A_7 = arith.constant 1 : index
    %get3A_8 = arith.constant 0 : index
    %get3A_9 = arith.constant 0 : index
    %get3A_10 = vector.load %arg1[%get3A_7, %get3A_8, %get3A_9] : memref<2x640x64xf32, #tpu.memory_space<vmem>>, vector<1x640x64xf32>
    %get3A_11 = vector.shape_cast %get3A_10 : vector<1x640x64xf32> to vector<640x64xf32>
    %add3A = arith.addf %get3A_6, %get3A_11 : vector<640x64xf32>
    %get3A_12 = arith.constant 0 : index
    %get3A_13 = arith.constant 0 : index
    %get3A_14 = vector.load %arg2[%get3A_12, %get3A_13] : memref<640x64xf32, #tpu.memory_space<vmem>>, vector<640x64xf32>
    %add3A_15 = arith.addf %add3A, %get3A_14 : vector<640x64xf32>
    %mul3A = vector.broadcast %get3A_1 : vector<640x1xf32> to vector<640x64xf32>
    %mul3A_16 = arith.mulf %add3A_15, %mul3A : vector<640x64xf32>
    %get3A_17 = arith.constant 0 : index
    %get3A_18 = vector.load %arg4[%get3A_17] : memref<64xf32, #tpu.memory_space<vmem>>, vector<64xf32>
    %broadcast_in_dim3A = vector.shape_cast %get3A_18 : vector<64xf32> to vector<1x64xf32>
    %add3A_19 = vector.broadcast %broadcast_in_dim3A : vector<1x64xf32> to vector<640x64xf32>
    %add3A_20 = arith.addf %mul3A_16, %add3A_19 : vector<640x64xf32>
    %max3A = arith.constant 0.000000e+00 : f32
    %max3A_21 = vector.broadcast %max3A : f32 to vector<640x64xf32>
    %max3A_22 = arith.maximumf %add3A_20, %max3A_21 : vector<640x64xf32>
    %get3A_23 = arith.constant 0 : index
    %get3A_24 = arith.constant 0 : index
    %get3A_25 = vector.load %arg5[%get3A_23, %get3A_24] : memref<64x16xf32, #tpu.memory_space<vmem>>, vector<64x16xf32>
    %dot_general3A = arith.constant dense<0.000000e+00> : vector<640x16xf32>
    %dot_general3A_26 = tpu.matmul %max3A_22, %get3A_25, %dot_general3A {dimension_numbers = #tpu.dot_dimension_numbers<[1], [0], [0], [1], [0, 0, 1, 1], [], []>, transpose_lhs_hint = false} : vector<640x64xf32>, vector<64x16xf32>, vector<640x16xf32> -> vector<640x16xf32>
    %mul3A_27 = vector.broadcast %get3A_1 : vector<640x1xf32> to vector<640x16xf32>
    %mul3A_28 = arith.mulf %dot_general3A_26, %mul3A_27 : vector<640x16xf32>
    %swap3A = arith.constant 0 : index
    %swap3A_29 = arith.constant 0 : index
    %swap3A_30 = vector.load %arg6[%swap3A, %swap3A_29] : memref<640x16xf32, #tpu.memory_space<vmem>>, vector<640x16xf32>
    tpu.vector_store %arg6[%swap3A, %swap3A_29], %mul3A_28 {strides = array<i32>} : memref<640x16xf32, #tpu.memory_space<vmem>>, vector<640x16xf32>,
    return
  }
  func.func @transform_0(%arg0: i32) -> (i32, i32, i32) {
    %c0_i32 = arith.constant 0 : i32
    %c0_i32_0 = arith.constant 0 : i32
    %c0_i32_1 = arith.constant 0 : i32
    return %c0_i32, %arg0, %c0_i32_0 : i32, i32, i32
  }
  func.func @transform_1(%arg0: i32) -> (i32, i32) {
    %c0_i32 = arith.constant 0 : i32
    %c0_i32_0 = arith.constant 0 : i32
    return %arg0, %c0_i32 : i32, i32
  }
  func.func @transform_2(%arg0: i32) -> (i32, i32) {
    %c0_i32 = arith.constant 0 : i32
    %c0_i32_0 = arith.constant 0 : i32
    return %arg0, %c0_i32 : i32, i32
  }
  func.func @transform_3(%arg0: i32) -> i32 {
    %c0_i32 = arith.constant 0 : i32
    %c0_i32_0 = arith.constant 0 : i32
    return %c0_i32 : i32
  }
  func.func @transform_4(%arg0: i32) -> (i32, i32) {
    %c0_i32 = arith.constant 0 : i32
    %c0_i32_0 = arith.constant 0 : i32
    %c0_i32_1 = arith.constant 0 : i32
    return %c0_i32, %c0_i32_0 : i32, i32
  }
  func.func @transform_5(%arg0: i32) -> (i32, i32) {
    %c0_i32 = arith.constant 0 : i32
    %c0_i32_0 = arith.constant 0 : i32
    return %arg0, %c0_i32 : i32, i32
  }
}

module attributes {stable_mosaic.version = 14 : i64} {
  func.func @body(%arg0: i32, %arg1: memref<2x640x16xf32, #tpu.memory_space<vmem>>, %arg2: memref<640x16xf32, #tpu.memory_space<vmem>>, %arg3: memref<640x1xf32, #tpu.memory_space<vmem>>, %arg4: memref<16xf32, #tpu.memory_space<vmem>>, %arg5: memref<640x16xf32, #tpu.memory_space<vmem>>) attributes {dimension_semantics = [#tpu.dimension_semantics<arbitrary>], iteration_bounds = array<i64: 16>, scalar_prefetch = 0 : i64, scratch_operands = 0 : i64, tpu.core_type = #tpu.core_type<tc>, window_params = [{transform_indices = @transform_0, window_bounds = array<i64: 2, 640, 16>}, {transform_indices = @transform_1, window_bounds = array<i64: 640, 16>}, {transform_indices = @transform_2, window_bounds = array<i64: 640, 1>}, {pipeline_mode = #tpu.pipeline_mode<synchronous>, transform_indices = @transform_3, window_bounds = array<i64: 16>}, {transform_indices = @transform_4, window_bounds = array<i64: 640, 16>}]} {
    %get3A = arith.constant 0 : index
    %get3A_0 = arith.constant 0 : index
    %get3A_1 = arith.constant 0 : index
    %get3A_2 = vector.load %arg1[%get3A, %get3A_0, %get3A_1] : memref<2x640x16xf32, #tpu.memory_space<vmem>>, vector<1x640x16xf32>
    %get3A_3 = vector.shape_cast %get3A_2 : vector<1x640x16xf32> to vector<640x16xf32>
    %get3A_4 = arith.constant 1 : index
    %get3A_5 = arith.constant 0 : index
    %get3A_6 = arith.constant 0 : index
    %get3A_7 = vector.load %arg1[%get3A_4, %get3A_5, %get3A_6] : memref<2x640x16xf32, #tpu.memory_space<vmem>>, vector<1x640x16xf32>
    %get3A_8 = vector.shape_cast %get3A_7 : vector<1x640x16xf32> to vector<640x16xf32>
    %add3A = arith.addf %get3A_3, %get3A_8 : vector<640x16xf32>
    %get3A_9 = arith.constant 0 : index
    %get3A_10 = arith.constant 0 : index
    %get3A_11 = vector.load %arg2[%get3A_9, %get3A_10] : memref<640x16xf32, #tpu.memory_space<vmem>>, vector<640x16xf32>
    %add3A_12 = arith.addf %add3A, %get3A_11 : vector<640x16xf32>
    %get3A_13 = arith.constant 0 : index
    %get3A_14 = arith.constant 0 : index
    %get3A_15 = vector.load %arg3[%get3A_13, %get3A_14] : memref<640x1xf32, #tpu.memory_space<vmem>>, vector<640x1xf32>
    %mul3A = vector.broadcast %get3A_15 : vector<640x1xf32> to vector<640x16xf32>
    %mul3A_16 = arith.mulf %add3A_12, %mul3A : vector<640x16xf32>
    %get3A_17 = arith.constant 0 : index
    %get3A_18 = vector.load %arg4[%get3A_17] : memref<16xf32, #tpu.memory_space<vmem>>, vector<16xf32>
    %broadcast_in_dim3A = vector.shape_cast %get3A_18 : vector<16xf32> to vector<1x16xf32>
    %add3A_19 = vector.broadcast %broadcast_in_dim3A : vector<1x16xf32> to vector<640x16xf32>
    %add3A_20 = arith.addf %mul3A_16, %add3A_19 : vector<640x16xf32>
    %swap3A = arith.constant 0 : index
    %swap3A_21 = arith.constant 0 : index
    %swap3A_22 = vector.load %arg5[%swap3A, %swap3A_21] : memref<640x16xf32, #tpu.memory_space<vmem>>, vector<640x16xf32>
    tpu.vector_store %arg5[%swap3A, %swap3A_21], %add3A_20 {strides = array<i32>} : memref<640x16xf32, #tpu.memory_space<vmem>>, vector<640x16xf32>,
    return
  }
  func.func @transform_0(%arg0: i32) -> (i32, i32, i32) {
    %c0_i32 = arith.constant 0 : i32
    %c0_i32_0 = arith.constant 0 : i32
    %c0_i32_1 = arith.constant 0 : i32
    return %c0_i32, %arg0, %c0_i32_0 : i32, i32, i32
  }
  func.func @transform_1(%arg0: i32) -> (i32, i32) {
    %c0_i32 = arith.constant 0 : i32
    %c0_i32_0 = arith.constant 0 : i32
    return %arg0, %c0_i32 : i32, i32
  }
  func.func @transform_2(%arg0: i32) -> (i32, i32) {
    %c0_i32 = arith.constant 0 : i32
    %c0_i32_0 = arith.constant 0 : i32
    return %arg0, %c0_i32 : i32, i32
  }
  func.func @transform_3(%arg0: i32) -> i32 {
    %c0_i32 = arith.constant 0 : i32
    %c0_i32_0 = arith.constant 0 : i32
    return %c0_i32 : i32
  }
  func.func @transform_4(%arg0: i32) -> (i32, i32) {
    %c0_i32 = arith.constant 0 : i32
    %c0_i32_0 = arith.constant 0 : i32
    return %arg0, %c0_i32 : i32, i32
  }
}

</mosaic_0001>

<sc_bundles>
// kernel: _run.11.cloned.1.call-start
scs
__scs_entry_jumppad:
0x0: {  	(pc) =	sbr.rel $0x88, $3  }
0x1: {  	(tag) =	ssettag $0x0;
	lr =	simm.s32 $0x1  }
0x2: {  	[smem:$0x3F9B] =	sst lr;
	_ =	strace $0xD0000000  }
0x3: {  	_ = 	snop  }
0x4: {  	_ = 	snop  }
0x5: {  	_ = 	snop  }
0x6: {  	_ = 	snop  }
0x7: {  	_ = 	snop  }
__scs_overlays_trampoline_lowered:
0x8: {  	[smem:$0x3FAA] =	sst s0  }
0x9: {  	[smem:$0x3FAB] =	sst s1  }
0xa: {  	[smem:$0x3FAC] =	sst s2  }
0xb: {  	[smem:$0x3FAD] =	sst s3  }
0xc: {  	[smem:$0x3FAE] =	sst s4  }
0xd: {  	[smem:$0x3FAF] =	sst s5  }
0xe: {  	[smem:$0x3FB0] =	sst s6  }
0xf: {  	[smem:$0x3FB1] =	sst s7  }
0x10: {  	[smem:$0x3FB2] =	sst s8  }
0x11: {  	[smem:$0x3FB3] =	sst s9;
	s0 =	simm.s32 @!p0 $0x0  }
0x12: {  	s1 =	sld [smem:$0x3F99];
	s0 =	simm.s32 @p0 $0x1  }
0x13: {  	[smem:$0x3FB4] =	sst s0;
	s0 =	simm.s32 @!p1 $0x0  }
0x14: {  	s2 =	sld [smem:$0x3F98];
	s0 =	simm.s32 @p1 $0x1  }
0x15: {  	[smem:$0x3FB5] =	sst s0;
	s0 =	simm.s32 @!p2 $0x0  }
0x16: {  	s3 =	sld [smem:$0x3FDB];
	s0 =	simm.s32 @p2 $0x1  }
0x17: {  	s4 =	simm.s32 $0x1BF5;
	[smem:$0x3FB7] =	sst s0  }
0x18: {  	s0 =	sld [smem:$0x3F9A];
	_ =	swait.ge [sflag:s4], $0x0  }
0x19: {  	s7 =	sld [smem:$0x3F9B]  }
0x1a: {  	s8 =	sadd.s32 $0xFFFFE003, lr  }
0x1b: {  	s9 =	sadd.s32 $0xFFFFFEF7, lr;
	s5 =	simm.s32 $0xFFFFFFFF;
	p2 =	slt.u32 s8, $0xFFFFF086  }
0x1c: {  	p1 =	slt.u32 s9, $0xF7A;
	s5 =	simm.s32 @!p2 $0x0  }
0x1d: {  	s5 =	simm.s32 @p1 $0x1;
	p0 =	seq.s32 s7, s2  }
0x1e: {  	s7 =	smul.u32 @!p0 $0xF7A, s2;
	p2 =	seq.s32 @!p0 s5, $0x0  }
0x1f: {  	s9 =	smul.u32 $0xF7A, s1;
	s8 =	simm.s32 @!p0 $0x1BF5;
	p2 =	por !p2, p0  }
0x20: {  	[sflag:s8] =	ssyncset.s32 @!p0 $0xFFFFF086;
	s6 =	sadd.s32 @!p0 s3, s7;
	s7 =	simm.s32 @!p0 $0x108  }
0x21: {  	s3 =	sadd.s32 s3, s9;
	s6 =	sadd.s32 @!p0 $0x88, s6;
	s7 =	simm.s32 @p2 $0x1082  }
0x22: {  	[simem:s7], [sflag:s8] =	dma.local @!p0 [hbm:s6], $0xF7A  }
0x23: {  	s9 =	sor.u32 $0xD0000000, s2;
	s6 =	simm.s32 $0x108;
	_ =	swait.ge @!p0 [sflag:s8], $0x0  }
0x24: {  	s3 =	sadd.s32 $0x88, s3;
	s6 =	simm.s32 @!p1 $0x1082;
	[sflag:s4] =	ssyncset.s32 $0xFFFFF086  }
0x25: {  	[simem:s6], [sflag:s4] =	dma.local [hbm:s3], $0xF7A  }
0x26: {  	[smem:$0x3F9B] =	sst s1;
	(tag) =	ssettag s2;
	_ =	strace s9  }
0x27: {  	s1 =	sld [smem:$0x3FAB]  }
0x28: {  	s2 =	sld [smem:$0x3FAC]  }
0x29: {  	s4 =	sld [smem:$0x3FAE]  }
0x2a: {  	p0 =	seq.s32 s5, $0x0;
	s5 =	sld [smem:$0x3FAF]  }
0x2b: {  	s6 =	sld [smem:$0x3FB0]  }
0x2c: {  	s7 =	sld [smem:$0x3FB1]  }
0x2d: {  	s3 =	simm.s32 $0x108;
	s8 =	sld [smem:$0x3FB2]  }
0x2e: {  	s3 =	simm.s32 @!p0 $0x1082;
	s9 =	sld [smem:$0x3FB3]  }
0x2f: {  	lr =	sadd.s32 s0, s3;
	s0 =	sld [smem:$0x3FAA]  }
0x30: {  	s3 =	sld [smem:$0x3FAD]  }
0x31: {  	[smem:$0x3FB6] =	sst s10  }
0x32: {  	s10 =	sld [smem:$0x3FB4];
	_ =	sdelay $0x3  }
0x33: {  	p0 =	seq.s32 s10, $0x1;
	s10 =	sld [smem:$0x3FB6];
	_ =	sdelay $0x3  }
0x34: {  	[smem:$0x3FB6] =	sst s10  }
0x35: {  	s10 =	sld [smem:$0x3FB5];
	_ =	sdelay $0x3  }
0x36: {  	p1 =	seq.s32 s10, $0x1;
	s10 =	sld [smem:$0x3FB6];
	_ =	sdelay $0x3  }
0x37: {  	[smem:$0x3FB6] =	sst s10  }
0x38: {  	s10 =	sld [smem:$0x3FB7]  }
0x39: {  	_ = 	snop;
	(pc) =	sbr.ind lr, $3  }
0x3a: {  	_ = 	snop  }
0x3b: {  	_ = 	snop  }
0x3c: {  	p2 =	seq.s32 s10, $0x1;
	s10 =	sld [smem:$0x3FB6]  }
0x3d: {  	_ =	shalt  }
0x3e: {  	_ =	shalt  }
0x3f: {  	_ =	shalt  }
0x40: {  	_ =	shalt  }
0x41: {  	_ =	shalt  }
0x42: {  	_ =	shalt  }
0x43: {  	_ =	shalt  }
0x44: {  	_ =	shalt  }
0x45: {  	_ =	shalt  }
0x46: {  	_ =	shalt  }
0x47: {  	_ =	shalt  }
0x48: {  	_ =	shalt  }
0x49: {  	_ =	shalt  }
0x4a: {  	_ =	shalt  }
0x4b: {  	_ =	shalt  }
0x4c: {  	_ =	shalt  }
0x4d: {  	_ =	shalt  }
0x4e: {  	_ =	shalt  }
0x4f: {  	_ =	shalt  }
0x50: {  	_ =	shalt  }
0x51: {  	_ =	shalt  }
0x52: {  	_ =	shalt  }
0x53: {  	_ =	shalt  }
0x54: {  	_ =	shalt  }
0x55: {  	_ =	shalt  }
0x56: {  	_ =	shalt  }
0x57: {  	_ =	shalt  }
0x58: {  	_ =	shalt  }
0x59: {  	_ =	shalt  }
0x5a: {  	_ =	shalt  }
0x5b: {  	_ =	shalt  }
0x5c: {  	_ =	shalt  }
0x5d: {  	_ =	shalt  }
0x5e: {  	_ =	shalt  }
0x5f: {  	_ =	shalt  }
0x60: {  	_ =	shalt  }
0x61: {  	_ =	shalt  }
0x62: {  	_ =	shalt  }
0x63: {  	_ =	shalt  }
0x64: {  	_ =	shalt  }
0x65: {  	_ =	shalt  }
0x66: {  	_ =	shalt  }
0x67: {  	_ =	shalt  }
0x68: {  	_ =	shalt  }
0x69: {  	_ =	shalt  }
0x6a: {  	_ =	shalt  }
0x6b: {  	_ =	shalt  }
0x6c: {  	_ =	shalt  }
0x6d: {  	_ =	shalt  }
0x6e: {  	_ =	shalt  }
0x6f: {  	_ =	shalt  }
0x70: {  	_ =	shalt  }
0x71: {  	_ =	shalt  }
0x72: {  	_ =	shalt  }
0x73: {  	_ =	shalt  }
0x74: {  	_ =	shalt  }
0x75: {  	_ =	shalt  }
0x76: {  	_ =	shalt  }
0x77: {  	_ =	shalt  }
0x78: {  	_ =	shalt  }
0x79: {  	_ =	shalt  }
0x7a: {  	_ =	shalt  }
0x7b: {  	_ =	shalt  }
0x7c: {  	_ =	shalt  }
0x7d: {  	_ =	shalt  }
0x7e: {  	_ =	shalt  }
0x7f: {  	_ =	shalt  }
0x80: {  	_ =	shalt  }
0x81: {  	_ =	shalt  }
0x82: {  	_ =	shalt  }
0x83: {  	_ =	shalt  }
0x84: {  	_ =	shalt  }
0x85: {  	_ =	shalt  }
0x86: {  	_ =	shalt  }
0x87: {  	_ =	shalt  }
.Lfunc_end0:
.L_simem_size_0:
called_computation.1_lowered:
.L_overlay_start_0:
0x88: {  	s2 =	sld [smem:$0x3FD9]  }
0x89: {  	s3 =	sld [smem:$0x3FFE];
	_ =	sdelay $0x1  }
0x8a: {  	s1 =	srdreg.scid  }
0x8b: {  	s0 =	sand.u32 $0x1, s1  }
0x8c: {  	s17 =	sshll.u32 s0, $0xA;
	s2 =	sadd.s32 s3, s2  }
0x8d: {  	s2 =	sadd.s32 s2, s17  }
0x8e: {  	[smem:$0x3FC2] =	sst s2  }
0x8f: {  	_ = 	snop  }
0x90: {  	s2 =	sld [smem:$0x3FD0];
	(tm) =	ssettm $0x1  }
0x91: {  	s18 =	sld [smem:$0x3FFB];
	_ =	sdelay $0x3  }
0x92: {  	_ =	strace s18  }
0x93: {  	s3 =	sld [smem:$0x3FFC];
	_ =	sdelay $0x3  }
0x94: {  	_ =	strace s3  }
0x95: {  	s3 =	sld [smem:$0x3FFD];
	_ =	sdelay $0x3  }
0x96: {  	_ =	strace s3  }
0x97: {  	_ =	strace $0x8FFFFFFF  }
0x98: {  	s19 =	sld [smem:$0x3FDB];
	_ =	sdelay $0x1  }
0x99: {  	s4 =	simm.s32 $_scs_section_size  }
0x9a: {  	s5 =	simm.s32 $_size__tile_overlayer_lowered;
	s6 =	simm.s32 $_tile_overlayer_lowered  }
0x9b: {  	s22 =	simm.s32 $0x1BFF;
	s21 =	sshll.u32 s6, $0x1;
	s3 =	sadd.s32 s4, s19  }
0x9c: {  	s7 =	simm.s32 $0x0;
	s20 =	sshll.u32 s5, $0x1;
	s5 =	sadd.s32 s21, s3  }
0x9d: {  	[timem:s7], [sflag:s22] =	dma.local [hbm:s5], s20  }
0x9e: {  	_ =	swait.ge [sflag:s22], s20  }
0x9f: {  	s4 =	ssub.s32 $0x0, s20;
	[sflag:s22] =	ssyncset.done $0x0  }
0xa0: {  	[sflag:s22] =	ssyncadd.s32 s4;
	_ =	sdelay $0x1  }
0xa1: {  	s23 =	simm.s32 $0x1B8B  }
0xa2: {  	_ =	swait.ge [sflag:s23], $0x1  }
0xa3: {  	[sflag:s23] =	ssyncset.done $0x0  }
0xa4: {  	s25 =	simm.s32 $0x1B8E;
	s24 =	sld [smem:$0x3FFE];
	[sflag:s23] =	ssyncadd.s32 $0xFFFFFFFF  }
0xa5: {  	s26 =	simm.s32 $execute0_lowered;
	[smem:$0x3FD2] =	sst s25  }
0xa6: {  	s5 =	sshll.u32 s26, $0x1;
	_ =	strace $0x80000049;
	[dreg:$0x1] =	wrdreg $0xFFFFFFFF  }
0xa7: {  	s28 =	simm.s32 $_size_execute0_lowered;
	s3 =	sadd.s32 s3, s5;
	[dreg:$0x0] =	wrdreg $0x0  }
0xa8: {  	s5 =	sshll.u32 s28, $0x1;
	[dreg:$0x2] =	wrdreg s3  }
0xa9: {  	[dreg:$0x3] =	wrdreg s5  }
0xaa: {  	[dreg:$0x4] =	wrdreg $0xC0  }
0xab: {  	_ =	task [dreg:s7], $0x5FFFF  }
0xac: {  	[dreg:$0x1] =	wrdreg $0xFFFFFFFF  }
0xad: {  	[dreg:$0x0] =	wrdreg $0x60  }
0xae: {  	[dreg:$0x2] =	wrdreg s24  }
0xaf: {  	[dreg:$0x3] =	wrdreg s2  }
0xb0: {  	[dreg:$0x4] =	wrdreg $0x48000  }
0xb1: {  	[dreg:$0x5] =	wrdreg $0x9  }
0xb2: {  	_ =	task.clear_ibuf [dreg:s7], $0x6FFFF;
	_ =	strace $0x90000049  }
0xb3: {  	s29 =	simm.s32 $0x9;
	_ =	strace $0x8000004B  }
0xb4: {  	_ =	swait.ge [sflag:s29], $0x1  }
0xb5: {  	[sflag:s29] =	ssyncadd.s32 $0xFFFFFFFF  }
0xb6: {  	_ =	strace $0x9000004B  }
0xb7: {  	_ =	sfence  }
0xb8: {  	s30 =	sld [smem:$0x0];
	_ =	sdelay $0x2  }
0xb9: {  	s31 =	sshll.u32 s1, $0xD;
	s1 =	sshrl.u32 s1, $0x2  }
0xba: {  	s3 =	sand.u32 $0x4000, s31;
	s1 =	sadd.s32 s1, s30  }
0xbb: {  	s0 =	sor.u32 s3, s0;
	s1 =	sshll.u32 s1, $0x11  }
0xbc: {  	s0 =	sor.u32 s1, s0  }
0xbd: {  	s0 =	sadd.s32 $0x8F2B, s0  }
0xbe: {  	[sflag:s0] =	ssyncadd.remote.s32 $0x1  }
0xbf: {  	_ =	sfence.sel $0xFFFF  }
0xc0: {  	[dreg:$0x0] =	wrdreg $0xFFFFFFFF;
	(pc) =	sbr.abs _section_cstart, $3  }
0xc1: {  	[dreg:$0x1] =	wrdreg $0xFFFFFFFF  }
0xc2: {  	_ =	task.clear_ibuf [dreg:s7], $0x2FFFF;
	_ =	strace $0x9FFFFFFF  }
0xc3: {  	(tm) =	ssettm $0x7FFFFFFF  }
tec
execute0_lowered:
.L_overlay_start_1:
0x0: {  	(tag) =	ssettag $0x1  }
0x1: {  	s6 =	rddreg [dreg:$0x0]  }
0x2: {  	s2 =	rddreg [dreg:$0x1]  }
0x3: {  	s3 =	rddreg [dreg:$0x2];
	s4 =	srdreg.scid  }
0x4: {  	s0 =	rddreg [dreg:$0x3];
	s1 =	stileid.u32;
	s15 =	simm.s32 $0x1  }
0x5: {  	s16 =	simm.s32 $0x1400;
	s17 =	simm.s32 $0x2800;
	s18 =	simm.s32 $0x80  }
0x6: {  	s21 =	simm.s32 $0x0;
	s7 =	sand.u32 $0x1, s4;
	s8 =	smul.u32 $0xA000, s1  }
0x7: {  	s4 =	simm.s32 $0x0;
	s11 =	smul.u32 $0x28000, s1;
	s19 =	sshll.u32 s1, $0x6  }
0x8: {  	s5 =	sshll.u32 s7, $0x4;
	[smem:$0x7FF] =	sst s4;
	s10 =	smul.u32 $0xA0000, s7  }
0x9: {  	s7 =	ssub.s32 $0x2, s7;
	s19 =	sor.u32 $0x1C01, s19;
	s9 =	sor.u32 s1, s5  }
0xa: {  	_ =	strace $0x8000004A;
	s5 =	sadd.s32 $0x10000, s6;
	s12 =	sshrl.u32 s7, $0x1  }
0xb: {  	s30 =	sshrl.u32 s11, $0x2;
	s9 =	smul.u32 $0x280, s9;
	s10 =	sadd.s32 s8, s10  }
0xc: {  	s14 =	ssub.s32 s7, s12;
	s31 =	sadd.s32 s30, s3;
	s8 =	sadd.s32 s8, s3  }
0xd: {  	s10 =	sshrl.u32 s10, $0x3;
	s11 =	sadd.s32 $0x6000, s31;
	s12 =	sadd.s32 $0x8000, s31  }
0xe: {  	s14 =	smax.u32 s14, $0x1;
	s20 =	sshrl.u32 s8, $0x3;
	s9 =	sadd.s32 s9, s6  }
0xf: {  	s13 =	sadd.s32 s10, s6;
	s10 =	sadd.s32 $0x4000, s31;
	s6 =	sadd.s32 $0xB000, s9  }
0x10: {  	s7 =	sadd.s32 $0xE00, s9;
	s9 =	sadd.s32 $0x2000, s31;
	s13 =	sadd.s32 $0x24000, s13  }
.LBB2_1:
0x11: {  	[tilespmem:s4], [sflag:$0x1] =	stream.linear.gather [hbm4b:s6+s4], $0x1400, $0x38;
	[tilespmem:$0xE800] =	vst v63  }
0x12: {  	_ =	swait.ge [sflag:s15], $0x1400  }
0x13: {  	[sflag:s15] =	ssyncset.done $0x0  }
0x14: {  	[sflag:s15] =	ssyncadd.s32 $0xFFFFEC00  }
0x15: {  	[tilespmem:s16], [sflag:$0x1] =	stream.linear.gather [hbm4b:s7+s4], $0x1400, $0x38;
	[tilespmem:$0xE800] =	vst v63  }
0x16: {  	_ =	swait.ge [sflag:s15], $0x1400  }
0x17: {  	[sflag:s15] =	ssyncset.done $0x0  }
0x18: {  	[sflag:s15] =	ssyncadd.s32 $0xFFFFEC00  }
0x19: {  	[tilespmem:s17], [sflag:$0x1] =	stream.linear.gather [hbm4b:s2+s4], $0x2000, $0x38;
	[tilespmem:$0xE800] =	vst v63  }
0x1a: {  	_ =	swait.ge [sflag:s15], $0x2000  }
0x1b: {  	[sflag:s15] =	ssyncset.done $0x0  }
0x1c: {  	[sflag:s15] =	ssyncadd.s32 $0xFFFFE000  }
0x1d: {  	[spmem:s8] =	stream.linear.scatter [tilespmem:s17], [sflag:$0x1], $0x2000, $0x38;
	[tilespmem:$0xE800] =	vst v63  }
0x1e: {  	_ =	swait.ge [sflag:s15], $0x2000  }
0x1f: {  	[sflag:s15] =	ssyncset.done $0x0  }
0x20: {  	[sflag:s15] =	ssyncadd.s32 $0xFFFFE000  }
0x21: {  	[spmem:s9] =	stream.linear.scatter [tilespmem:s17], [sflag:$0x1], $0x2000, $0x38;
	[tilespmem:$0xE800] =	vst v63  }
0x22: {  	_ =	swait.ge [sflag:s15], $0x2000  }
0x23: {  	[sflag:s15] =	ssyncset.done $0x0  }
0x24: {  	[sflag:s15] =	ssyncadd.s32 $0xFFFFE000  }
0x25: {  	[spmem:s10] =	stream.linear.scatter [tilespmem:s17], [sflag:$0x1], $0x2000, $0x38;
	[tilespmem:$0xE800] =	vst v63  }
0x26: {  	_ =	swait.ge [sflag:s15], $0x2000  }
0x27: {  	[sflag:s15] =	ssyncset.done $0x0  }
0x28: {  	[sflag:s15] =	ssyncadd.s32 $0xFFFFE000  }
0x29: {  	[spmem:s11] =	stream.linear.scatter [tilespmem:s17], [sflag:$0x1], $0x2000, $0x38;
	[tilespmem:$0xE800] =	vst v63  }
0x2a: {  	_ =	swait.ge [sflag:s15], $0x2000  }
0x2b: {  	[sflag:s15] =	ssyncset.done $0x0  }
0x2c: {  	[sflag:s15] =	ssyncadd.s32 $0xFFFFE000  }
0x2d: {  	[spmem:s12] =	stream.linear.scatter [tilespmem:s17], [sflag:$0x1], $0x2000, $0x38;
	[tilespmem:$0xE800] =	vst v63  }
0x2e: {  	_ =	swait.ge [sflag:s15], $0x2000  }
0x2f: {  	[sflag:s15] =	ssyncset.done $0x0  }
0x30: {  	[sflag:s15] =	ssyncadd.s32 $0xFFFFE000  }
0x31: {  	s22 =	simm.s32 $0x0;
	[bflag:$0x0] =	sbarrier.arrive $0xFFFF  }
0x32: {  	[tilespmem:s17], [sflag:$0x1] =	stream.indirect.gather [hbm4b:s5+s18], $0x40, s22, s18, $0xb8;
	[tilespmem:$0xE800] =	vst v63  }
0x33: {  	_ =	swait.ge [sflag:s15], $0x2000  }
0x34: {  	[sflag:s15] =	ssyncset.done $0x0  }
0x35: {  	s31 =	simm.s32 $0x1400;
	[sflag:s15] =	ssyncadd.s32 $0xFFFFE000  }
0x36: {  	[spmem:s3] =	stream.indirect.scatter.add.f32 [tilespmem:s17], [sflag:$0x1], $0x40, s31, s18, $0xb8;
	[tilespmem:$0xE800] =	vst v63  }
0x37: {  	_ =	swait.ge [sflag:s15], $0x2000  }
0x38: {  	s23 =	simm.s32 $0x400;
	s22 =	simm.s32 $0x200;
	[sflag:s15] =	ssyncset.done $0x0  }
.LBB2_2:
0x39: {  	s24 =	sshra.s32 s22, $0x2  }
0x3a: {  	[sflag:s15] =	ssyncadd.s32 $0xFFFFE000;
	s22 =	smov.u32 s23;
	s25 =	sadd.s32 $0x200, s23  }
0x3b: {  	[tilespmem:s17], [sflag:$0x1] =	stream.indirect.gather [hbm4b:s5+s18], $0x40, s24, s18, $0xb8;
	[tilespmem:$0xE800] =	vst v63  }
0x3c: {  	p0 =	sne.s32 s23, $0x4E00;
	_ =	swait.ge [sflag:s15], $0x2000  }
.Ltmp0:
0x3d: {  	[sflag:s15] =	ssyncset.done $0x0;
	(pc) =	sbr.rel @p0 .LBB2_2-.Ltmp0, $4  }
0x3e: {  	s23 =	sadd.s32 $0x1400, s24;
	[sflag:s15] =	ssyncadd.s32 $0xFFFFE000  }
0x3f: {  	[spmem:s3] =	stream.indirect.scatter.add.f32 [tilespmem:s17], [sflag:$0x1], $0x40, s23, s18, $0xb8;
	[tilespmem:$0xE800] =	vst v63  }
0x40: {  	_ =	swait.ge [sflag:s15], $0x2000  }
0x41: {  	s23 =	smov.u32 s25;
	[sflag:s15] =	ssyncset.done $0x0  }
0x42: {  	s22 =	sshra.s32 s22, $0x2;
	[sflag:s15] =	ssyncadd.s32 $0xFFFFE000  }
0x43: {  	[tilespmem:s17], [sflag:$0x1] =	stream.indirect.gather [hbm4b:s5+s18], $0x40, s22, s18, $0xb8;
	[tilespmem:$0xE800] =	vst v63  }
0x44: {  	_ =	swait.ge [sflag:s15], $0x2000  }
0x45: {  	[sflag:s15] =	ssyncset.done $0x0  }
0x46: {  	s22 =	sadd.s32 $0x1400, s22;
	[sflag:s15] =	ssyncadd.s32 $0xFFFFE000  }
0x47: {  	[spmem:s3] =	stream.indirect.scatter.add.f32 [tilespmem:s17], [sflag:$0x1], $0x40, s22, s18, $0xb8;
	[tilespmem:$0xE800] =	vst v63  }
0x48: {  	_ =	swait.ge [sflag:s15], $0x2000  }
0x49: {  	s21 =	sadd.s32 $0x1, s21;
	[sflag:s15] =	ssyncset.done $0x0  }
0x4a: {  	p0 =	sne.s32 s21, s14;
	[sflag:s15] =	ssyncadd.s32 $0xFFFFE000  }
.Ltmp1:
0x4b: {  	[bflag:$0x0] =	sbarrier.arrive $0xFFFF;
	(pc) =	sbr.rel @p0 .LBB2_1-.Ltmp1, $4  }
0x4c: {  	[hbm:s13], [sflag:s19] =	dma.local [spmem:s20], $0x1400  }
0x4d: {  	_ =	swait.ge [sflag:s15], $0x1400  }
0x4e: {  	[sflag:s15] =	ssyncset.done $0x0  }
0x4f: {  	[sflag:s15] =	ssyncadd.s32 $0xFFFFEC00  }
0x50: {  	_ =	sfence.sel $0x180000  }
0x51: {  	[bflag:$0x0] =	sbarrier.arrive $0xFFFF  }
0x52: {  	p0 =	sne.s32 s1, $0x0;
	_ =	strace $0x9000004A  }
0x53: {  	s0 =	sadd.s32 @!p0 $0x100000, s0;
	[bflag:$0x2] =	sbarrier.arrive $0xFFFF  }
0x54: {  	[sflag:s0] =	ssyncadd.tile.s32 @!p0 $0x1;
	_ =	shalt  }
.Lfunc_end2:
_tile_overlayer_lowered:
.L_overlay_start_2:
0x55: {  	(tag) =	ssettag $0x2  }
0x56: {  	s0 =	rddreg [dreg:$0x0];
	s2 =	stileid.u32  }
0x57: {  	s1 =	rddreg [dreg:$0x1];
	p0 =	sne.s32 s2, $0x0  }
0x58: {  	s3 =	rddreg [dreg:$0x2];
	[bflag:$0x3] =	sbarrier.arrive $0xFFFF;
	s2 =	simm.s32 @!p0 $0x1C01  }
0x59: {  	[timem:s3], [sflag:s2] =	dma.local @!p0 [hbm:s0], s1  }
0x5a: {  	s0 =	simm.s32 @!p0 $0x1  }
0x5b: {  	_ =	swait.ge @!p0 [sflag:s0], s1  }
0x5c: {  	s1 =	ssub.s32 @!p0 $0x0, s1;
	[sflag:s0] =	ssyncset.done @!p0 $0x0  }
0x5d: {  	[sflag:s0] =	ssyncadd.s32 @!p0 s1  }
0x5e: {  	[bflag:$0x3] =	sbarrier.arrive $0xFFFF  }
0x5f: {  	_ =	shalt  }

// kernel: _run.14.cloned.1.call-start
scs
__scs_entry_jumppad:
0x0: {  	(pc) =	sbr.rel $0x88, $3  }
0x1: {  	(tag) =	ssettag $0x0;
	lr =	simm.s32 $0x1  }
0x2: {  	[smem:$0x3F9B] =	sst lr;
	_ =	strace $0xD0000000  }
0x3: {  	_ = 	snop  }
0x4: {  	_ = 	snop  }
0x5: {  	_ = 	snop  }
0x6: {  	_ = 	snop  }
0x7: {  	_ = 	snop  }
__scs_overlays_trampoline_lowered:
0x8: {  	[smem:$0x3FAA] =	sst s0  }
0x9: {  	[smem:$0x3FAB] =	sst s1  }
0xa: {  	[smem:$0x3FAC] =	sst s2  }
0xb: {  	[smem:$0x3FAD] =	sst s3  }
0xc: {  	[smem:$0x3FAE] =	sst s4  }
0xd: {  	[smem:$0x3FAF] =	sst s5  }
0xe: {  	[smem:$0x3FB0] =	sst s6  }
0xf: {  	[smem:$0x3FB1] =	sst s7  }
0x10: {  	[smem:$0x3FB2] =	sst s8  }
0x11: {  	[smem:$0x3FB3] =	sst s9;
	s0 =	simm.s32 @!p0 $0x0  }
0x12: {  	s1 =	sld [smem:$0x3F99];
	s0 =	simm.s32 @p0 $0x1  }
0x13: {  	[smem:$0x3FB4] =	sst s0;
	s0 =	simm.s32 @!p1 $0x0  }
0x14: {  	s2 =	sld [smem:$0x3F98];
	s0 =	simm.s32 @p1 $0x1  }
0x15: {  	[smem:$0x3FB5] =	sst s0;
	s0 =	simm.s32 @!p2 $0x0  }
0x16: {  	s3 =	sld [smem:$0x3FDB];
	s0 =	simm.s32 @p2 $0x1  }
0x17: {  	s4 =	simm.s32 $0x1BF5;
	[smem:$0x3FB7] =	sst s0  }
0x18: {  	s0 =	sld [smem:$0x3F9A];
	_ =	swait.ge [sflag:s4], $0x0  }
0x19: {  	s7 =	sld [smem:$0x3F9B]  }
0x1a: {  	s8 =	sadd.s32 $0xFFFFE003, lr  }
0x1b: {  	s9 =	sadd.s32 $0xFFFFFEF7, lr;
	s5 =	simm.s32 $0xFFFFFFFF;
	p2 =	slt.u32 s8, $0xFFFFF086  }
0x1c: {  	p1 =	slt.u32 s9, $0xF7A;
	s5 =	simm.s32 @!p2 $0x0  }
0x1d: {  	s5 =	simm.s32 @p1 $0x1;
	p0 =	seq.s32 s7, s2  }
0x1e: {  	s7 =	smul.u32 @!p0 $0xF7A, s2;
	p2 =	seq.s32 @!p0 s5, $0x0  }
0x1f: {  	s9 =	smul.u32 $0xF7A, s1;
	s8 =	simm.s32 @!p0 $0x1BF5;
	p2 =	por !p2, p0  }
0x20: {  	[sflag:s8] =	ssyncset.s32 @!p0 $0xFFFFF086;
	s6 =	sadd.s32 @!p0 s3, s7;
	s7 =	simm.s32 @!p0 $0x108  }
0x21: {  	s3 =	sadd.s32 s3, s9;
	s6 =	sadd.s32 @!p0 $0x88, s6;
	s7 =	simm.s32 @p2 $0x1082  }
0x22: {  	[simem:s7], [sflag:s8] =	dma.local @!p0 [hbm:s6], $0xF7A  }
0x23: {  	s9 =	sor.u32 $0xD0000000, s2;
	s6 =	simm.s32 $0x108;
	_ =	swait.ge @!p0 [sflag:s8], $0x0  }
0x24: {  	s3 =	sadd.s32 $0x88, s3;
	s6 =	simm.s32 @!p1 $0x1082;
	[sflag:s4] =	ssyncset.s32 $0xFFFFF086  }
0x25: {  	[simem:s6], [sflag:s4] =	dma.local [hbm:s3], $0xF7A  }
0x26: {  	[smem:$0x3F9B] =	sst s1;
	(tag) =	ssettag s2;
	_ =	strace s9  }
0x27: {  	s1 =	sld [smem:$0x3FAB]  }
0x28: {  	s2 =	sld [smem:$0x3FAC]  }
0x29: {  	s4 =	sld [smem:$0x3FAE]  }
0x2a: {  	p0 =	seq.s32 s5, $0x0;
	s5 =	sld [smem:$0x3FAF]  }
0x2b: {  	s6 =	sld [smem:$0x3FB0]  }
0x2c: {  	s7 =	sld [smem:$0x3FB1]  }
0x2d: {  	s3 =	simm.s32 $0x108;
	s8 =	sld [smem:$0x3FB2]  }
0x2e: {  	s3 =	simm.s32 @!p0 $0x1082;
	s9 =	sld [smem:$0x3FB3]  }
0x2f: {  	lr =	sadd.s32 s0, s3;
	s0 =	sld [smem:$0x3FAA]  }
0x30: {  	s3 =	sld [smem:$0x3FAD]  }
0x31: {  	[smem:$0x3FB6] =	sst s10  }
0x32: {  	s10 =	sld [smem:$0x3FB4];
	_ =	sdelay $0x3  }
0x33: {  	p0 =	seq.s32 s10, $0x1;
	s10 =	sld [smem:$0x3FB6];
	_ =	sdelay $0x3  }
0x34: {  	[smem:$0x3FB6] =	sst s10  }
0x35: {  	s10 =	sld [smem:$0x3FB5];
	_ =	sdelay $0x3  }
0x36: {  	p1 =	seq.s32 s10, $0x1;
	s10 =	sld [smem:$0x3FB6];
	_ =	sdelay $0x3  }
0x37: {  	[smem:$0x3FB6] =	sst s10  }
0x38: {  	s10 =	sld [smem:$0x3FB7]  }
0x39: {  	_ = 	snop;
	(pc) =	sbr.ind lr, $3  }
0x3a: {  	_ = 	snop  }
0x3b: {  	_ = 	snop  }
0x3c: {  	p2 =	seq.s32 s10, $0x1;
	s10 =	sld [smem:$0x3FB6]  }
0x3d: {  	_ =	shalt  }
0x3e: {  	_ =	shalt  }
0x3f: {  	_ =	shalt  }
0x40: {  	_ =	shalt  }
0x41: {  	_ =	shalt  }
0x42: {  	_ =	shalt  }
0x43: {  	_ =	shalt  }
0x44: {  	_ =	shalt  }
0x45: {  	_ =	shalt  }
0x46: {  	_ =	shalt  }
0x47: {  	_ =	shalt  }
0x48: {  	_ =	shalt  }
0x49: {  	_ =	shalt  }
0x4a: {  	_ =	shalt  }
0x4b: {  	_ =	shalt  }
0x4c: {  	_ =	shalt  }
0x4d: {  	_ =	shalt  }
0x4e: {  	_ =	shalt  }
0x4f: {  	_ =	shalt  }
0x50: {  	_ =	shalt  }
0x51: {  	_ =	shalt  }
0x52: {  	_ =	shalt  }
0x53: {  	_ =	shalt  }
0x54: {  	_ =	shalt  }
0x55: {  	_ =	shalt  }
0x56: {  	_ =	shalt  }
0x57: {  	_ =	shalt  }
0x58: {  	_ =	shalt  }
0x59: {  	_ =	shalt  }
0x5a: {  	_ =	shalt  }
0x5b: {  	_ =	shalt  }
0x5c: {  	_ =	shalt  }
0x5d: {  	_ =	shalt  }
0x5e: {  	_ =	shalt  }
0x5f: {  	_ =	shalt  }
0x60: {  	_ =	shalt  }
0x61: {  	_ =	shalt  }
0x62: {  	_ =	shalt  }
0x63: {  	_ =	shalt  }
0x64: {  	_ =	shalt  }
0x65: {  	_ =	shalt  }
0x66: {  	_ =	shalt  }
0x67: {  	_ =	shalt  }
0x68: {  	_ =	shalt  }
0x69: {  	_ =	shalt  }
0x6a: {  	_ =	shalt  }
0x6b: {  	_ =	shalt  }
0x6c: {  	_ =	shalt  }
0x6d: {  	_ =	shalt  }
0x6e: {  	_ =	shalt  }
0x6f: {  	_ =	shalt  }
0x70: {  	_ =	shalt  }
0x71: {  	_ =	shalt  }
0x72: {  	_ =	shalt  }
0x73: {  	_ =	shalt  }
0x74: {  	_ =	shalt  }
0x75: {  	_ =	shalt  }
0x76: {  	_ =	shalt  }
0x77: {  	_ =	shalt  }
0x78: {  	_ =	shalt  }
0x79: {  	_ =	shalt  }
0x7a: {  	_ =	shalt  }
0x7b: {  	_ =	shalt  }
0x7c: {  	_ =	shalt  }
0x7d: {  	_ =	shalt  }
0x7e: {  	_ =	shalt  }
0x7f: {  	_ =	shalt  }
0x80: {  	_ =	shalt  }
0x81: {  	_ =	shalt  }
0x82: {  	_ =	shalt  }
0x83: {  	_ =	shalt  }
0x84: {  	_ =	shalt  }
0x85: {  	_ =	shalt  }
0x86: {  	_ =	shalt  }
0x87: {  	_ =	shalt  }
.Lfunc_end0:
.L_simem_size_0:
called_computation.2_lowered:
.L_overlay_start_0:
0x88: {  	s2 =	sld [smem:$0x3FD9]  }
0x89: {  	s3 =	sld [smem:$0x3FFE];
	_ =	sdelay $0x1  }
0x8a: {  	s1 =	srdreg.scid  }
0x8b: {  	s0 =	sand.u32 $0x1, s1  }
0x8c: {  	s17 =	sshll.u32 s0, $0xA;
	s2 =	sadd.s32 s3, s2  }
0x8d: {  	s2 =	sadd.s32 s2, s17  }
0x8e: {  	[smem:$0x3FC2] =	sst s2  }
0x8f: {  	_ = 	snop  }
0x90: {  	s2 =	sld [smem:$0x3FD0];
	(tm) =	ssettm $0x1  }
0x91: {  	s18 =	sld [smem:$0x3FFB];
	_ =	sdelay $0x3  }
0x92: {  	_ =	strace s18  }
0x93: {  	s3 =	sld [smem:$0x3FFC];
	_ =	sdelay $0x3  }
0x94: {  	_ =	strace s3  }
0x95: {  	s3 =	sld [smem:$0x3FFD];
	_ =	sdelay $0x3  }
0x96: {  	_ =	strace s3  }
0x97: {  	_ =	strace $0x8FFFFFFF  }
0x98: {  	s19 =	sld [smem:$0x3FDB];
	_ =	sdelay $0x1  }
0x99: {  	s4 =	simm.s32 $_scs_section_size  }
0x9a: {  	s5 =	simm.s32 $_size__tile_overlayer_lowered;
	s6 =	simm.s32 $_tile_overlayer_lowered  }
0x9b: {  	s22 =	simm.s32 $0x1BFF;
	s21 =	sshll.u32 s6, $0x1;
	s3 =	sadd.s32 s4, s19  }
0x9c: {  	s7 =	simm.s32 $0x0;
	s20 =	sshll.u32 s5, $0x1;
	s5 =	sadd.s32 s21, s3  }
0x9d: {  	[timem:s7], [sflag:s22] =	dma.local [hbm:s5], s20  }
0x9e: {  	_ =	swait.ge [sflag:s22], s20  }
0x9f: {  	s4 =	ssub.s32 $0x0, s20;
	[sflag:s22] =	ssyncset.done $0x0  }
0xa0: {  	[sflag:s22] =	ssyncadd.s32 s4;
	_ =	sdelay $0x1  }
0xa1: {  	s23 =	simm.s32 $0x1B8B  }
0xa2: {  	_ =	swait.ge [sflag:s23], $0x1  }
0xa3: {  	[sflag:s23] =	ssyncset.done $0x0  }
0xa4: {  	s25 =	simm.s32 $0x1B8E;
	s24 =	sld [smem:$0x3FFE];
	[sflag:s23] =	ssyncadd.s32 $0xFFFFFFFF  }
0xa5: {  	s26 =	simm.s32 $execute0_lowered;
	[smem:$0x3FD2] =	sst s25  }
0xa6: {  	s5 =	sshll.u32 s26, $0x1;
	_ =	strace $0x8000004C;
	[dreg:$0x1] =	wrdreg $0xFFFFFFFF  }
0xa7: {  	s28 =	simm.s32 $_size_execute0_lowered;
	s3 =	sadd.s32 s3, s5;
	[dreg:$0x0] =	wrdreg $0x0  }
0xa8: {  	s5 =	sshll.u32 s28, $0x1;
	[dreg:$0x2] =	wrdreg s3  }
0xa9: {  	[dreg:$0x3] =	wrdreg s5  }
0xaa: {  	[dreg:$0x4] =	wrdreg $0xC0  }
0xab: {  	_ =	task [dreg:s7], $0x5FFFF  }
0xac: {  	[dreg:$0x1] =	wrdreg $0xFFFFFFFF  }
0xad: {  	[dreg:$0x0] =	wrdreg $0x60  }
0xae: {  	[dreg:$0x2] =	wrdreg s24  }
0xaf: {  	[dreg:$0x3] =	wrdreg s2  }
0xb0: {  	[dreg:$0x4] =	wrdreg $0x30000  }
0xb1: {  	[dreg:$0x5] =	wrdreg $0x9  }
0xb2: {  	_ =	task.clear_ibuf [dreg:s7], $0x6FFFF;
	_ =	strace $0x9000004C  }
0xb3: {  	s29 =	simm.s32 $0x9;
	_ =	strace $0x8000004E  }
0xb4: {  	_ =	swait.ge [sflag:s29], $0x1  }
0xb5: {  	[sflag:s29] =	ssyncadd.s32 $0xFFFFFFFF  }
0xb6: {  	_ =	strace $0x9000004E  }
0xb7: {  	_ =	sfence  }
0xb8: {  	s30 =	sld [smem:$0x0];
	_ =	sdelay $0x2  }
0xb9: {  	s31 =	sshll.u32 s1, $0xD;
	s1 =	sshrl.u32 s1, $0x2  }
0xba: {  	s3 =	sand.u32 $0x4000, s31;
	s1 =	sadd.s32 s1, s30  }
0xbb: {  	s0 =	sor.u32 s3, s0;
	s1 =	sshll.u32 s1, $0x11  }
0xbc: {  	s0 =	sor.u32 s1, s0  }
0xbd: {  	s0 =	sadd.s32 $0x8F2B, s0  }
0xbe: {  	[sflag:s0] =	ssyncadd.remote.s32 $0x1  }
0xbf: {  	_ =	sfence.sel $0xFFFF  }
0xc0: {  	[dreg:$0x0] =	wrdreg $0xFFFFFFFF;
	(pc) =	sbr.abs _section_cstart, $3  }
0xc1: {  	[dreg:$0x1] =	wrdreg $0xFFFFFFFF  }
0xc2: {  	_ =	task.clear_ibuf [dreg:s7], $0x2FFFF;
	_ =	strace $0x9FFFFFFF  }
0xc3: {  	(tm) =	ssettm $0x7FFFFFFF  }
tec
execute0_lowered:
.L_overlay_start_1:
0x0: {  	(tag) =	ssettag $0x1  }
0x1: {  	s6 =	rddreg [dreg:$0x0]  }
0x2: {  	s2 =	rddreg [dreg:$0x1]  }
0x3: {  	s3 =	rddreg [dreg:$0x2];
	s4 =	srdreg.scid  }
0x4: {  	s0 =	rddreg [dreg:$0x3];
	s1 =	stileid.u32;
	s15 =	simm.s32 $0x1  }
0x5: {  	s16 =	simm.s32 $0x1400;
	s17 =	simm.s32 $0x2800;
	s18 =	simm.s32 $0x80  }
0x6: {  	s21 =	simm.s32 $0x0;
	s7 =	sand.u32 $0x1, s4;
	s8 =	smul.u32 $0x2800, s1  }
0x7: {  	s4 =	simm.s32 $0x0;
	s11 =	smul.u32 $0xA000, s1;
	s19 =	sshll.u32 s1, $0x6  }
0x8: {  	s5 =	sshll.u32 s7, $0x4;
	[smem:$0x7FF] =	sst s4;
	s10 =	smul.u32 $0x28000, s7  }
0x9: {  	s7 =	ssub.s32 $0x2, s7;
	s19 =	sor.u32 $0x1C01, s19;
	s9 =	sor.u32 s1, s5  }
0xa: {  	_ =	strace $0x8000004D;
	s5 =	sadd.s32 $0x5E00, s6;
	s12 =	sshrl.u32 s7, $0x1  }
0xb: {  	s30 =	sshrl.u32 s11, $0x2;
	s9 =	smul.u32 $0x280, s9;
	s10 =	sadd.s32 s8, s10  }
0xc: {  	s14 =	ssub.s32 s7, s12;
	s31 =	sadd.s32 s30, s3;
	s8 =	sadd.s32 s8, s3  }
0xd: {  	s10 =	sshrl.u32 s10, $0x3;
	s11 =	sadd.s32 $0x1800, s31;
	s12 =	sadd.s32 $0x2000, s31  }
0xe: {  	s14 =	smax.u32 s14, $0x1;
	s20 =	sshrl.u32 s8, $0x3;
	s9 =	sadd.s32 s9, s6  }
0xf: {  	s13 =	sadd.s32 s10, s6;
	s10 =	sadd.s32 $0x1000, s31;
	s6 =	sadd.s32 $0xB000, s9  }
0x10: {  	s7 =	sadd.s32 $0xE00, s9;
	s9 =	sadd.s32 $0x800, s31;
	s13 =	sadd.s32 $0x10000, s13  }
.LBB2_1:
0x11: {  	[tilespmem:s4], [sflag:$0x1] =	stream.linear.gather [hbm4b:s6+s4], $0x1400, $0x38;
	[tilespmem:$0x5800] =	vst v63  }
0x12: {  	_ =	swait.ge [sflag:s15], $0x1400  }
0x13: {  	[sflag:s15] =	ssyncset.done $0x0  }
0x14: {  	[sflag:s15] =	ssyncadd.s32 $0xFFFFEC00  }
0x15: {  	[tilespmem:s16], [sflag:$0x1] =	stream.linear.gather [hbm4b:s7+s4], $0x1400, $0x38;
	[tilespmem:$0x5800] =	vst v63  }
0x16: {  	_ =	swait.ge [sflag:s15], $0x1400  }
0x17: {  	[sflag:s15] =	ssyncset.done $0x0  }
0x18: {  	[sflag:s15] =	ssyncadd.s32 $0xFFFFEC00  }
0x19: {  	[tilespmem:s17], [sflag:$0x1] =	stream.linear.gather [hbm4b:s2+s4], $0x800, $0x38;
	[tilespmem:$0x5800] =	vst v63  }
0x1a: {  	_ =	swait.ge [sflag:s15], $0x800  }
0x1b: {  	[sflag:s15] =	ssyncset.done $0x0  }
0x1c: {  	[sflag:s15] =	ssyncadd.s32 $0xFFFFF800  }
0x1d: {  	[spmem:s8] =	stream.linear.scatter [tilespmem:s17], [sflag:$0x1], $0x800, $0x38;
	[tilespmem:$0x5800] =	vst v63  }
0x1e: {  	_ =	swait.ge [sflag:s15], $0x800  }
0x1f: {  	[sflag:s15] =	ssyncset.done $0x0  }
0x20: {  	[sflag:s15] =	ssyncadd.s32 $0xFFFFF800  }
0x21: {  	[spmem:s9] =	stream.linear.scatter [tilespmem:s17], [sflag:$0x1], $0x800, $0x38;
	[tilespmem:$0x5800] =	vst v63  }
0x22: {  	_ =	swait.ge [sflag:s15], $0x800  }
0x23: {  	[sflag:s15] =	ssyncset.done $0x0  }
0x24: {  	[sflag:s15] =	ssyncadd.s32 $0xFFFFF800  }
0x25: {  	[spmem:s10] =	stream.linear.scatter [tilespmem:s17], [sflag:$0x1], $0x800, $0x38;
	[tilespmem:$0x5800] =	vst v63  }
0x26: {  	_ =	swait.ge [sflag:s15], $0x800  }
0x27: {  	[sflag:s15] =	ssyncset.done $0x0  }
0x28: {  	[sflag:s15] =	ssyncadd.s32 $0xFFFFF800  }
0x29: {  	[spmem:s11] =	stream.linear.scatter [tilespmem:s17], [sflag:$0x1], $0x800, $0x38;
	[tilespmem:$0x5800] =	vst v63  }
0x2a: {  	_ =	swait.ge [sflag:s15], $0x800  }
0x2b: {  	[sflag:s15] =	ssyncset.done $0x0  }
0x2c: {  	[sflag:s15] =	ssyncadd.s32 $0xFFFFF800  }
0x2d: {  	[spmem:s12] =	stream.linear.scatter [tilespmem:s17], [sflag:$0x1], $0x800, $0x38;
	[tilespmem:$0x5800] =	vst v63  }
0x2e: {  	_ =	swait.ge [sflag:s15], $0x800  }
0x2f: {  	[sflag:s15] =	ssyncset.done $0x0  }
0x30: {  	[sflag:s15] =	ssyncadd.s32 $0xFFFFF800  }
0x31: {  	s22 =	simm.s32 $0x0;
	[bflag:$0x0] =	sbarrier.arrive $0xFFFF  }
0x32: {  	[tilespmem:s17], [sflag:$0x1] =	stream.indirect.gather [hbm4b:s5+s18], $0x10, s22, s18, $0xb8;
	[tilespmem:$0x5800] =	vst v63  }
0x33: {  	_ =	swait.ge [sflag:s15], $0x800  }
0x34: {  	[sflag:s15] =	ssyncset.done $0x0  }
0x35: {  	s31 =	simm.s32 $0x1400;
	[sflag:s15] =	ssyncadd.s32 $0xFFFFF800  }
0x36: {  	[spmem:s3] =	stream.indirect.scatter.add.f32 [tilespmem:s17], [sflag:$0x1], $0x10, s31, s18, $0xb8;
	[tilespmem:$0x5800] =	vst v63  }
0x37: {  	_ =	swait.ge [sflag:s15], $0x800  }
0x38: {  	s23 =	simm.s32 $0x400;
	s22 =	simm.s32 $0x200;
	[sflag:s15] =	ssyncset.done $0x0  }
.LBB2_2:
0x39: {  	s24 =	sshra.s32 s22, $0x2  }
0x3a: {  	[sflag:s15] =	ssyncadd.s32 $0xFFFFF800;
	s22 =	smov.u32 s23;
	s25 =	sadd.s32 $0x200, s23  }
0x3b: {  	[tilespmem:s17], [sflag:$0x1] =	stream.indirect.gather [hbm4b:s5+s18], $0x10, s24, s18, $0xb8;
	[tilespmem:$0x5800] =	vst v63  }
0x3c: {  	p0 =	sne.s32 s23, $0x4E00;
	_ =	swait.ge [sflag:s15], $0x800  }
.Ltmp0:
0x3d: {  	[sflag:s15] =	ssyncset.done $0x0;
	(pc) =	sbr.rel @p0 .LBB2_2-.Ltmp0, $4  }
0x3e: {  	s23 =	sadd.s32 $0x1400, s24;
	[sflag:s15] =	ssyncadd.s32 $0xFFFFF800  }
0x3f: {  	[spmem:s3] =	stream.indirect.scatter.add.f32 [tilespmem:s17], [sflag:$0x1], $0x10, s23, s18, $0xb8;
	[tilespmem:$0x5800] =	vst v63  }
0x40: {  	_ =	swait.ge [sflag:s15], $0x800  }
0x41: {  	s23 =	smov.u32 s25;
	[sflag:s15] =	ssyncset.done $0x0  }
0x42: {  	s22 =	sshra.s32 s22, $0x2;
	[sflag:s15] =	ssyncadd.s32 $0xFFFFF800  }
0x43: {  	[tilespmem:s17], [sflag:$0x1] =	stream.indirect.gather [hbm4b:s5+s18], $0x10, s22, s18, $0xb8;
	[tilespmem:$0x5800] =	vst v63  }
0x44: {  	_ =	swait.ge [sflag:s15], $0x800  }
0x45: {  	[sflag:s15] =	ssyncset.done $0x0  }
0x46: {  	s22 =	sadd.s32 $0x1400, s22;
	[sflag:s15] =	ssyncadd.s32 $0xFFFFF800  }
0x47: {  	[spmem:s3] =	stream.indirect.scatter.add.f32 [tilespmem:s17], [sflag:$0x1], $0x10, s22, s18, $0xb8;
	[tilespmem:$0x5800] =	vst v63  }
0x48: {  	_ =	swait.ge [sflag:s15], $0x800  }
0x49: {  	s21 =	sadd.s32 $0x1, s21;
	[sflag:s15] =	ssyncset.done $0x0  }
0x4a: {  	p0 =	sne.s32 s21, s14;
	[sflag:s15] =	ssyncadd.s32 $0xFFFFF800  }
.Ltmp1:
0x4b: {  	[bflag:$0x0] =	sbarrier.arrive $0xFFFF;
	(pc) =	sbr.rel @p0 .LBB2_1-.Ltmp1, $4  }
0x4c: {  	[hbm:s13], [sflag:s19] =	dma.local [spmem:s20], $0x500  }
0x4d: {  	_ =	swait.ge [sflag:s15], $0x500  }
0x4e: {  	[sflag:s15] =	ssyncset.done $0x0  }
0x4f: {  	[sflag:s15] =	ssyncadd.s32 $0xFFFFFB00  }
0x50: {  	_ =	sfence.sel $0x180000  }
0x51: {  	[bflag:$0x0] =	sbarrier.arrive $0xFFFF  }
0x52: {  	p0 =	sne.s32 s1, $0x0;
	_ =	strace $0x9000004D  }
0x53: {  	s0 =	sadd.s32 @!p0 $0x100000, s0;
	[bflag:$0x2] =	sbarrier.arrive $0xFFFF  }
0x54: {  	[sflag:s0] =	ssyncadd.tile.s32 @!p0 $0x1;
	_ =	shalt  }
.Lfunc_end2:
_tile_overlayer_lowered:
.L_overlay_start_2:
0x55: {  	(tag) =	ssettag $0x2  }
0x56: {  	s0 =	rddreg [dreg:$0x0];
	s2 =	stileid.u32  }
0x57: {  	s1 =	rddreg [dreg:$0x1];
	p0 =	sne.s32 s2, $0x0  }
0x58: {  	s3 =	rddreg [dreg:$0x2];
	[bflag:$0x3] =	sbarrier.arrive $0xFFFF;
	s2 =	simm.s32 @!p0 $0x1C01  }
0x59: {  	[timem:s3], [sflag:s2] =	dma.local @!p0 [hbm:s0], s1  }
0x5a: {  	s0 =	simm.s32 @!p0 $0x1  }
0x5b: {  	_ =	swait.ge @!p0 [sflag:s0], s1  }
0x5c: {  	s1 =	ssub.s32 @!p0 $0x0, s1;
	[sflag:s0] =	ssyncset.done @!p0 $0x0  }
0x5d: {  	[sflag:s0] =	ssyncadd.s32 @!p0 s1  }
0x5e: {  	[bflag:$0x3] =	sbarrier.arrive $0xFFFF  }
0x5f: {  	_ =	shalt  }

// kernel: _run.8.cloned.1.call-start
scs
__scs_entry_jumppad:
0x0: {  	(pc) =	sbr.rel $0x88, $3  }
0x1: {  	(tag) =	ssettag $0x0;
	lr =	simm.s32 $0x1  }
0x2: {  	[smem:$0x3F9B] =	sst lr;
	_ =	strace $0xD0000000  }
0x3: {  	_ = 	snop  }
0x4: {  	_ = 	snop  }
0x5: {  	_ = 	snop  }
0x6: {  	_ = 	snop  }
0x7: {  	_ = 	snop  }
__scs_overlays_trampoline_lowered:
0x8: {  	[smem:$0x3FAA] =	sst s0  }
0x9: {  	[smem:$0x3FAB] =	sst s1  }
0xa: {  	[smem:$0x3FAC] =	sst s2  }
0xb: {  	[smem:$0x3FAD] =	sst s3  }
0xc: {  	[smem:$0x3FAE] =	sst s4  }
0xd: {  	[smem:$0x3FAF] =	sst s5  }
0xe: {  	[smem:$0x3FB0] =	sst s6  }
0xf: {  	[smem:$0x3FB1] =	sst s7  }
0x10: {  	[smem:$0x3FB2] =	sst s8  }
0x11: {  	[smem:$0x3FB3] =	sst s9;
	s0 =	simm.s32 @!p0 $0x0  }
0x12: {  	s1 =	sld [smem:$0x3F99];
	s0 =	simm.s32 @p0 $0x1  }
0x13: {  	[smem:$0x3FB4] =	sst s0;
	s0 =	simm.s32 @!p1 $0x0  }
0x14: {  	s2 =	sld [smem:$0x3F98];
	s0 =	simm.s32 @p1 $0x1  }
0x15: {  	[smem:$0x3FB5] =	sst s0;
	s0 =	simm.s32 @!p2 $0x0  }
0x16: {  	s3 =	sld [smem:$0x3FDB];
	s0 =	simm.s32 @p2 $0x1  }
0x17: {  	s4 =	simm.s32 $0x1BF5;
	[smem:$0x3FB7] =	sst s0  }
0x18: {  	s0 =	sld [smem:$0x3F9A];
	_ =	swait.ge [sflag:s4], $0x0  }
0x19: {  	s7 =	sld [smem:$0x3F9B]  }
0x1a: {  	s8 =	sadd.s32 $0xFFFFE003, lr  }
0x1b: {  	s9 =	sadd.s32 $0xFFFFFEF7, lr;
	s5 =	simm.s32 $0xFFFFFFFF;
	p2 =	slt.u32 s8, $0xFFFFF086  }
0x1c: {  	p1 =	slt.u32 s9, $0xF7A;
	s5 =	simm.s32 @!p2 $0x0  }
0x1d: {  	s5 =	simm.s32 @p1 $0x1;
	p0 =	seq.s32 s7, s2  }
0x1e: {  	s7 =	smul.u32 @!p0 $0xF7A, s2;
	p2 =	seq.s32 @!p0 s5, $0x0  }
0x1f: {  	s9 =	smul.u32 $0xF7A, s1;
	s8 =	simm.s32 @!p0 $0x1BF5;
	p2 =	por !p2, p0  }
0x20: {  	[sflag:s8] =	ssyncset.s32 @!p0 $0xFFFFF086;
	s6 =	sadd.s32 @!p0 s3, s7;
	s7 =	simm.s32 @!p0 $0x108  }
0x21: {  	s3 =	sadd.s32 s3, s9;
	s6 =	sadd.s32 @!p0 $0x88, s6;
	s7 =	simm.s32 @p2 $0x1082  }
0x22: {  	[simem:s7], [sflag:s8] =	dma.local @!p0 [hbm:s6], $0xF7A  }
0x23: {  	s9 =	sor.u32 $0xD0000000, s2;
	s6 =	simm.s32 $0x108;
	_ =	swait.ge @!p0 [sflag:s8], $0x0  }
0x24: {  	s3 =	sadd.s32 $0x88, s3;
	s6 =	simm.s32 @!p1 $0x1082;
	[sflag:s4] =	ssyncset.s32 $0xFFFFF086  }
0x25: {  	[simem:s6], [sflag:s4] =	dma.local [hbm:s3], $0xF7A  }
0x26: {  	[smem:$0x3F9B] =	sst s1;
	(tag) =	ssettag s2;
	_ =	strace s9  }
0x27: {  	s1 =	sld [smem:$0x3FAB]  }
0x28: {  	s2 =	sld [smem:$0x3FAC]  }
0x29: {  	s4 =	sld [smem:$0x3FAE]  }
0x2a: {  	p0 =	seq.s32 s5, $0x0;
	s5 =	sld [smem:$0x3FAF]  }
0x2b: {  	s6 =	sld [smem:$0x3FB0]  }
0x2c: {  	s7 =	sld [smem:$0x3FB1]  }
0x2d: {  	s3 =	simm.s32 $0x108;
	s8 =	sld [smem:$0x3FB2]  }
0x2e: {  	s3 =	simm.s32 @!p0 $0x1082;
	s9 =	sld [smem:$0x3FB3]  }
0x2f: {  	lr =	sadd.s32 s0, s3;
	s0 =	sld [smem:$0x3FAA]  }
0x30: {  	s3 =	sld [smem:$0x3FAD]  }
0x31: {  	[smem:$0x3FB6] =	sst s10  }
0x32: {  	s10 =	sld [smem:$0x3FB4];
	_ =	sdelay $0x3  }
0x33: {  	p0 =	seq.s32 s10, $0x1;
	s10 =	sld [smem:$0x3FB6];
	_ =	sdelay $0x3  }
0x34: {  	[smem:$0x3FB6] =	sst s10  }
0x35: {  	s10 =	sld [smem:$0x3FB5];
	_ =	sdelay $0x3  }
0x36: {  	p1 =	seq.s32 s10, $0x1;
	s10 =	sld [smem:$0x3FB6];
	_ =	sdelay $0x3  }
0x37: {  	[smem:$0x3FB6] =	sst s10  }
0x38: {  	s10 =	sld [smem:$0x3FB7]  }
0x39: {  	_ = 	snop;
	(pc) =	sbr.ind lr, $3  }
0x3a: {  	_ = 	snop  }
0x3b: {  	_ = 	snop  }
0x3c: {  	p2 =	seq.s32 s10, $0x1;
	s10 =	sld [smem:$0x3FB6]  }
0x3d: {  	_ =	shalt  }
0x3e: {  	_ =	shalt  }
0x3f: {  	_ =	shalt  }
0x40: {  	_ =	shalt  }
0x41: {  	_ =	shalt  }
0x42: {  	_ =	shalt  }
0x43: {  	_ =	shalt  }
0x44: {  	_ =	shalt  }
0x45: {  	_ =	shalt  }
0x46: {  	_ =	shalt  }
0x47: {  	_ =	shalt  }
0x48: {  	_ =	shalt  }
0x49: {  	_ =	shalt  }
0x4a: {  	_ =	shalt  }
0x4b: {  	_ =	shalt  }
0x4c: {  	_ =	shalt  }
0x4d: {  	_ =	shalt  }
0x4e: {  	_ =	shalt  }
0x4f: {  	_ =	shalt  }
0x50: {  	_ =	shalt  }
0x51: {  	_ =	shalt  }
0x52: {  	_ =	shalt  }
0x53: {  	_ =	shalt  }
0x54: {  	_ =	shalt  }
0x55: {  	_ =	shalt  }
0x56: {  	_ =	shalt  }
0x57: {  	_ =	shalt  }
0x58: {  	_ =	shalt  }
0x59: {  	_ =	shalt  }
0x5a: {  	_ =	shalt  }
0x5b: {  	_ =	shalt  }
0x5c: {  	_ =	shalt  }
0x5d: {  	_ =	shalt  }
0x5e: {  	_ =	shalt  }
0x5f: {  	_ =	shalt  }
0x60: {  	_ =	shalt  }
0x61: {  	_ =	shalt  }
0x62: {  	_ =	shalt  }
0x63: {  	_ =	shalt  }
0x64: {  	_ =	shalt  }
0x65: {  	_ =	shalt  }
0x66: {  	_ =	shalt  }
0x67: {  	_ =	shalt  }
0x68: {  	_ =	shalt  }
0x69: {  	_ =	shalt  }
0x6a: {  	_ =	shalt  }
0x6b: {  	_ =	shalt  }
0x6c: {  	_ =	shalt  }
0x6d: {  	_ =	shalt  }
0x6e: {  	_ =	shalt  }
0x6f: {  	_ =	shalt  }
0x70: {  	_ =	shalt  }
0x71: {  	_ =	shalt  }
0x72: {  	_ =	shalt  }
0x73: {  	_ =	shalt  }
0x74: {  	_ =	shalt  }
0x75: {  	_ =	shalt  }
0x76: {  	_ =	shalt  }
0x77: {  	_ =	shalt  }
0x78: {  	_ =	shalt  }
0x79: {  	_ =	shalt  }
0x7a: {  	_ =	shalt  }
0x7b: {  	_ =	shalt  }
0x7c: {  	_ =	shalt  }
0x7d: {  	_ =	shalt  }
0x7e: {  	_ =	shalt  }
0x7f: {  	_ =	shalt  }
0x80: {  	_ =	shalt  }
0x81: {  	_ =	shalt  }
0x82: {  	_ =	shalt  }
0x83: {  	_ =	shalt  }
0x84: {  	_ =	shalt  }
0x85: {  	_ =	shalt  }
0x86: {  	_ =	shalt  }
0x87: {  	_ =	shalt  }
.Lfunc_end0:
.L_simem_size_0:
called_computation_lowered:
.L_overlay_start_0:
0x88: {  	s2 =	sld [smem:$0x3FD9]  }
0x89: {  	s3 =	sld [smem:$0x3FFE];
	_ =	sdelay $0x1  }
0x8a: {  	s1 =	srdreg.scid  }
0x8b: {  	s0 =	sand.u32 $0x1, s1  }
0x8c: {  	s17 =	sshll.u32 s0, $0xA;
	s2 =	sadd.s32 s3, s2  }
0x8d: {  	s2 =	sadd.s32 s2, s17  }
0x8e: {  	[smem:$0x3FC2] =	sst s2  }
0x8f: {  	_ = 	snop  }
0x90: {  	s2 =	sld [smem:$0x3FD0];
	(tm) =	ssettm $0x1  }
0x91: {  	s18 =	sld [smem:$0x3FFB];
	_ =	sdelay $0x3  }
0x92: {  	_ =	strace s18  }
0x93: {  	s3 =	sld [smem:$0x3FFC];
	_ =	sdelay $0x3  }
0x94: {  	_ =	strace s3  }
0x95: {  	s3 =	sld [smem:$0x3FFD];
	_ =	sdelay $0x3  }
0x96: {  	_ =	strace s3  }
0x97: {  	_ =	strace $0x8FFFFFFF  }
0x98: {  	s19 =	sld [smem:$0x3FDB];
	_ =	sdelay $0x1  }
0x99: {  	s4 =	simm.s32 $_scs_section_size  }
0x9a: {  	s5 =	simm.s32 $_size__tile_overlayer_lowered;
	s6 =	simm.s32 $_tile_overlayer_lowered  }
0x9b: {  	s22 =	simm.s32 $0x1BFF;
	s21 =	sshll.u32 s6, $0x1;
	s3 =	sadd.s32 s4, s19  }
0x9c: {  	s7 =	simm.s32 $0x0;
	s20 =	sshll.u32 s5, $0x1;
	s5 =	sadd.s32 s21, s3  }
0x9d: {  	[timem:s7], [sflag:s22] =	dma.local [hbm:s5], s20  }
0x9e: {  	_ =	swait.ge [sflag:s22], s20  }
0x9f: {  	s4 =	ssub.s32 $0x0, s20;
	[sflag:s22] =	ssyncset.done $0x0  }
0xa0: {  	[sflag:s22] =	ssyncadd.s32 s4;
	_ =	sdelay $0x1  }
0xa1: {  	s23 =	simm.s32 $0x1B8B  }
0xa2: {  	_ =	swait.ge [sflag:s23], $0x1  }
0xa3: {  	[sflag:s23] =	ssyncset.done $0x0  }
0xa4: {  	s25 =	simm.s32 $0x1B8E;
	s24 =	sld [smem:$0x3FFE];
	[sflag:s23] =	ssyncadd.s32 $0xFFFFFFFF  }
0xa5: {  	s26 =	simm.s32 $execute0_lowered;
	[smem:$0x3FD2] =	sst s25  }
0xa6: {  	s5 =	sshll.u32 s26, $0x1;
	_ =	strace $0x80000046;
	[dreg:$0x1] =	wrdreg $0xFFFFFFFF  }
0xa7: {  	s28 =	simm.s32 $_size_execute0_lowered;
	s3 =	sadd.s32 s3, s5;
	[dreg:$0x0] =	wrdreg $0x0  }
0xa8: {  	s5 =	sshll.u32 s28, $0x1;
	[dreg:$0x2] =	wrdreg s3  }
0xa9: {  	[dreg:$0x3] =	wrdreg s5  }
0xaa: {  	[dreg:$0x4] =	wrdreg $0xC0  }
0xab: {  	_ =	task [dreg:s7], $0x5FFFF  }
0xac: {  	[dreg:$0x1] =	wrdreg $0xFFFFFFFF  }
0xad: {  	[dreg:$0x0] =	wrdreg $0x60  }
0xae: {  	[dreg:$0x2] =	wrdreg s24  }
0xaf: {  	[dreg:$0x3] =	wrdreg s2  }
0xb0: {  	[dreg:$0x4] =	wrdreg $0x18000  }
0xb1: {  	[dreg:$0x5] =	wrdreg $0x9  }
0xb2: {  	_ =	task.clear_ibuf [dreg:s7], $0x6FFFF;
	_ =	strace $0x90000046  }
0xb3: {  	s29 =	simm.s32 $0x9;
	_ =	strace $0x80000048  }
0xb4: {  	_ =	swait.ge [sflag:s29], $0x1  }
0xb5: {  	[sflag:s29] =	ssyncadd.s32 $0xFFFFFFFF  }
0xb6: {  	_ =	strace $0x90000048  }
0xb7: {  	_ =	sfence  }
0xb8: {  	s30 =	sld [smem:$0x0];
	_ =	sdelay $0x2  }
0xb9: {  	s31 =	sshll.u32 s1, $0xD;
	s1 =	sshrl.u32 s1, $0x2  }
0xba: {  	s3 =	sand.u32 $0x4000, s31;
	s1 =	sadd.s32 s1, s30  }
0xbb: {  	s0 =	sor.u32 s3, s0;
	s1 =	sshll.u32 s1, $0x11  }
0xbc: {  	s0 =	sor.u32 s1, s0  }
0xbd: {  	s0 =	sadd.s32 $0x8F2B, s0  }
0xbe: {  	[sflag:s0] =	ssyncadd.remote.s32 $0x1  }
0xbf: {  	_ =	sfence.sel $0xFFFF  }
0xc0: {  	[dreg:$0x0] =	wrdreg $0xFFFFFFFF;
	(pc) =	sbr.abs _section_cstart, $3  }
0xc1: {  	[dreg:$0x1] =	wrdreg $0xFFFFFFFF  }
0xc2: {  	_ =	task.clear_ibuf [dreg:s7], $0x2FFFF;
	_ =	strace $0x9FFFFFFF  }
0xc3: {  	(tm) =	ssettm $0x7FFFFFFF  }
tec
execute0_lowered:
.L_overlay_start_1:
0x0: {  	(tag) =	ssettag $0x1  }
0x1: {  	s7 =	rddreg [dreg:$0x0]  }
0x2: {  	s2 =	rddreg [dreg:$0x1]  }
0x3: {  	s0 =	srdreg.scid;
	s3 =	rddreg [dreg:$0x2];
	s4 =	simm.s32 $0x0  }
0x4: {  	s15 =	simm.s32 $0x1400;
	s6 =	sand.u32 $0x1, s0;
	s0 =	stileid.u32  }
0x5: {  	s16 =	simm.s32 $0x80;
	s19 =	simm.s32 $0x0;
	s8 =	smul.u32 $0x1400, s0  }
0x6: {  	[smem:$0x7FF] =	sst s4;
	s1 =	sshll.u32 s6, $0x4;
	s9 =	smul.u32 $0x14000, s6  }
0x7: {  	s11 =	smul.u32 $0x5000, s0;
	s6 =	ssub.s32 $0x2, s6;
	s17 =	sshll.u32 s0, $0x6  }
0x8: {  	s1 =	sor.u32 s0, s1;
	s12 =	sshrl.u32 s6, $0x1;
	s17 =	sor.u32 $0x1C01, s17  }
0x9: {  	s5 =	smul.u32 $0x280, s1;
	s1 =	rddreg [dreg:$0x3];
	_ =	strace $0x80000047  }
0xa: {  	s9 =	sadd.s32 s8, s9;
	s11 =	sshrl.u32 s11, $0x2;
	s14 =	ssub.s32 s6, s12  }
0xb: {  	s9 =	sshrl.u32 s9, $0x3;
	s11 =	sadd.s32 s11, s3;
	s10 =	sadd.s32 s5, s7  }
0xc: {  	s5 =	sadd.s32 $0x5E00, s7;
	s13 =	sadd.s32 s9, s7;
	s7 =	sadd.s32 s8, s3  }
0xd: {  	s8 =	sadd.s32 $0x400, s11;
	s9 =	sadd.s32 $0x800, s11;
	s6 =	sadd.s32 $0xE00, s10  }
0xe: {  	s10 =	sadd.s32 $0xC00, s11;
	s11 =	sadd.s32 $0x1000, s11;
	s12 =	sadd.s32 $0x6000, s13  }
0xf: {  	s13 =	smax.u32 s14, $0x1;
	s14 =	simm.s32 $0x1;
	s18 =	sshrl.u32 s7, $0x3  }
.LBB2_1:
0x10: {  	[tilespmem:s4], [sflag:$0x1] =	stream.linear.gather [hbm4b:s6+s4], $0x1400, $0x38;
	[tilespmem:$0x2C00] =	vst v63  }
0x11: {  	_ =	swait.ge [sflag:s14], $0x1400  }
0x12: {  	[sflag:s14] =	ssyncset.done $0x0  }
0x13: {  	[sflag:s14] =	ssyncadd.s32 $0xFFFFEC00  }
0x14: {  	[tilespmem:s15], [sflag:$0x1] =	stream.linear.gather [hbm4b:s5+s4], $0x400, $0x38;
	[tilespmem:$0x2C00] =	vst v63  }
0x15: {  	_ =	swait.ge [sflag:s14], $0x400  }
0x16: {  	[sflag:s14] =	ssyncset.done $0x0  }
0x17: {  	[sflag:s14] =	ssyncadd.s32 $0xFFFFFC00  }
0x18: {  	[spmem:s7] =	stream.linear.scatter [tilespmem:s15], [sflag:$0x1], $0x400, $0x38;
	[tilespmem:$0x2C00] =	vst v63  }
0x19: {  	_ =	swait.ge [sflag:s14], $0x400  }
0x1a: {  	[sflag:s14] =	ssyncset.done $0x0  }
0x1b: {  	[sflag:s14] =	ssyncadd.s32 $0xFFFFFC00  }
0x1c: {  	[spmem:s8] =	stream.linear.scatter [tilespmem:s15], [sflag:$0x1], $0x400, $0x38;
	[tilespmem:$0x2C00] =	vst v63  }
0x1d: {  	_ =	swait.ge [sflag:s14], $0x400  }
0x1e: {  	[sflag:s14] =	ssyncset.done $0x0  }
0x1f: {  	[sflag:s14] =	ssyncadd.s32 $0xFFFFFC00  }
0x20: {  	[spmem:s9] =	stream.linear.scatter [tilespmem:s15], [sflag:$0x1], $0x400, $0x38;
	[tilespmem:$0x2C00] =	vst v63  }
0x21: {  	_ =	swait.ge [sflag:s14], $0x400  }
0x22: {  	[sflag:s14] =	ssyncset.done $0x0  }
0x23: {  	[sflag:s14] =	ssyncadd.s32 $0xFFFFFC00  }
0x24: {  	[spmem:s10] =	stream.linear.scatter [tilespmem:s15], [sflag:$0x1], $0x400, $0x38;
	[tilespmem:$0x2C00] =	vst v63  }
0x25: {  	_ =	swait.ge [sflag:s14], $0x400  }
0x26: {  	[sflag:s14] =	ssyncset.done $0x0  }
0x27: {  	[sflag:s14] =	ssyncadd.s32 $0xFFFFFC00  }
0x28: {  	[spmem:s11] =	stream.linear.scatter [tilespmem:s15], [sflag:$0x1], $0x400, $0x38;
	[tilespmem:$0x2C00] =	vst v63  }
0x29: {  	_ =	swait.ge [sflag:s14], $0x400  }
0x2a: {  	[sflag:s14] =	ssyncset.done $0x0  }
0x2b: {  	[sflag:s14] =	ssyncadd.s32 $0xFFFFFC00  }
0x2c: {  	[tilespmem:s15], [sflag:$0x1] =	stream.linear.gather [hbm4b:s2+s4], $0x400, $0x38;
	[tilespmem:$0x2C00] =	vst v63  }
0x2d: {  	_ =	swait.ge [sflag:s14], $0x400  }
0x2e: {  	[sflag:s14] =	ssyncset.done $0x0  }
0x2f: {  	[sflag:s14] =	ssyncadd.s32 $0xFFFFFC00  }
0x30: {  	s20 =	simm.s32 $0x0;
	[bflag:$0x0] =	sbarrier.arrive $0xFFFF  }
0x31: {  	[spmem:s3] =	stream.indirect.scatter.add.f32 [tilespmem:s15], [sflag:$0x1], $0x8, s20, s16, $0xb8;
	[tilespmem:$0x2C00] =	vst v63  }
0x32: {  	_ =	swait.ge [sflag:s14], $0x400  }
0x33: {  	s20 =	simm.s32 $0x200;
	[sflag:s14] =	ssyncset.done $0x0  }
.LBB2_2:
0x34: {  	s21 =	sshra.s32 s20, $0x2;
	[sflag:s14] =	ssyncadd.s32 $0xFFFFFC00;
	p0 =	sne.s32 s20, $0x4E00  }
0x35: {  	[spmem:s3] =	stream.indirect.scatter.add.f32 [tilespmem:s15], [sflag:$0x1], $0x8, s21, s16, $0xb8;
	[tilespmem:$0x2C00] =	vst v63  }
.Ltmp0:
0x36: {  	_ = 	snop;
	(pc) =	sbr.rel @p0 .LBB2_2-.Ltmp0, $4  }
0x37: {  	_ = 	snop  }
0x38: {  	s20 =	sadd.s32 $0x200, s20  }
0x39: {  	_ =	swait.ge [sflag:s14], $0x400  }
0x3a: {  	[sflag:s14] =	ssyncset.done $0x0  }
0x3b: {  	s19 =	sadd.s32 $0x1, s19  }
0x3c: {  	[sflag:s14] =	ssyncadd.s32 $0xFFFFFC00;
	p0 =	sne.s32 s19, s13  }
.Ltmp1:
0x3d: {  	[bflag:$0x0] =	sbarrier.arrive $0xFFFF;
	(pc) =	sbr.rel @p0 .LBB2_1-.Ltmp1, $4  }
0x3e: {  	[hbm:s12], [sflag:s17] =	dma.local [spmem:s18], $0x280  }
0x3f: {  	_ =	swait.ge [sflag:s14], $0x280  }
0x40: {  	[sflag:s14] =	ssyncset.done $0x0  }
0x41: {  	[sflag:s14] =	ssyncadd.s32 $0xFFFFFD80  }
0x42: {  	_ =	sfence.sel $0x180000  }
0x43: {  	[bflag:$0x0] =	sbarrier.arrive $0xFFFF  }
0x44: {  	p0 =	sne.s32 s0, $0x0;
	_ =	strace $0x90000047  }
0x45: {  	s0 =	sadd.s32 @!p0 $0x100000, s1;
	[bflag:$0x2] =	sbarrier.arrive $0xFFFF  }
0x46: {  	[sflag:s0] =	ssyncadd.tile.s32 @!p0 $0x1;
	_ =	shalt  }
.Lfunc_end2:
_tile_overlayer_lowered:
.L_overlay_start_2:
0x47: {  	(tag) =	ssettag $0x2  }
0x48: {  	s0 =	rddreg [dreg:$0x0];
	s2 =	stileid.u32  }
0x49: {  	s1 =	rddreg [dreg:$0x1];
	p0 =	sne.s32 s2, $0x0  }
0x4a: {  	s3 =	rddreg [dreg:$0x2];
	[bflag:$0x3] =	sbarrier.arrive $0xFFFF;
	s2 =	simm.s32 @!p0 $0x1C01  }
0x4b: {  	[timem:s3], [sflag:s2] =	dma.local @!p0 [hbm:s0], s1  }
0x4c: {  	s0 =	simm.s32 @!p0 $0x1  }
0x4d: {  	_ =	swait.ge @!p0 [sflag:s0], s1  }
0x4e: {  	s1 =	ssub.s32 @!p0 $0x0, s1;
	[sflag:s0] =	ssyncset.done @!p0 $0x0  }
0x4f: {  	[sflag:s0] =	ssyncadd.s32 @!p0 s1  }
0x50: {  	[bflag:$0x3] =	sbarrier.arrive $0xFFFF  }
0x51: {  	_ =	shalt  }

</sc_bundles>
